<compile_context>
chip_gen: v7x
topology: tpu7x:2x2x1
jax: 0.10.2.dev20260603
libtpu: 0.0.44.dev20260713+nightly
codegen_flags: <defaults>
</compile_context>

<pallas_src>
import functools

import jax
import jax.numpy as jnp
import numpy as np
from jax import lax
from jax.experimental import pallas as pl
from jax.experimental.pallas import tpu as pltpu
from jax.experimental.pallas import tpu_sc as plsc

_T = 2048
_D = 1024
_NH = 16
_DHD = 64
_K = 512
_F = 4096
_NV = 32000
_EPS = np.float32(np.finfo(np.float32).eps)
_DN = (((1,), (1,)), ((), ()))
_DNM = (((1,), (0,)), ((), ()))
_DNS = (((0,), (0,)), ((), ()))


def _split(a):
    hi = a.astype(jnp.bfloat16)
    lo = (a - hi.astype(jnp.float32)).astype(jnp.bfloat16)
    return hi, lo


def _dot(a, b, dims):
    return lax.dot_general(a, b, (dims, ((), ())),
                           preferred_element_type=jnp.float32)


def _mm3(ah, al, b, dims):
    del al
    return _dot(ah, b.astype(jnp.bfloat16), dims)


def _dothi(a, b, dims):
    return lax.dot_general(a, b, (dims, ((), ())),
                           precision=lax.Precision.HIGHEST,
                           preferred_element_type=jnp.float32)


def _norm(x, g):
    return x * lax.rsqrt(jnp.mean(x * x, axis=-1, keepdims=True) + _EPS) * g


def _embed_sc(table, idx):
    info = plsc.get_sparse_core_info()
    nc, ns = info.num_cores, info.num_subcores
    nw = nc * ns
    bpw = _T // nw
    mesh = plsc.VectorSubcoreMesh(core_axis_name="c", subcore_axis_name="s")

    @functools.partial(
        pl.kernel,
        out_type=jax.ShapeDtypeStruct((_T, _D), jnp.float32),
        mesh=mesh,
        scratch_types=[
            pltpu.VMEM((bpw,), jnp.int32),
            pltpu.VMEM((bpw, _D), jnp.float32),
            pltpu.SemaphoreType.DMA,
        ],
    )
    def k(table_hbm, idx_hbm, out_hbm, idx_v, rows_v, sem):
        wid = lax.axis_index("s") * nc + lax.axis_index("c")
        base = wid * bpw
        pltpu.sync_copy(idx_hbm.at[pl.ds(base, bpw)], idx_v)
        pltpu.async_copy(table_hbm.at[idx_v], rows_v, sem).wait()
        pltpu.sync_copy(rows_v, out_hbm.at[pl.ds(base, bpw)])

    return k(table, idx)


def _add_call(a, b):
    def body(a_ref, b_ref, o_ref):
        o_ref[...] = a_ref[...] + b_ref[...]

    return pl.pallas_call(
        body, out_shape=jax.ShapeDtypeStruct((_T, _D), jnp.float32))(a, b)


def _qkvr_call(x, g, wq, wk, wv, wr):
    bm = 256

    def body(x_ref, g_ref, wr_ref, wq_ref, wk_ref, wv_ref,
             y_ref, rs_ref, xh_ref, xl_ref):
        i = pl.program_id(0)

        @pl.when(i == 0)
        def _():
            xn = _norm(x_ref[...], g_ref[...])
            hi, lo = _split(xn)
            xh_ref[...] = hi
            xl_ref[...] = lo
            rs_ref[...] = _dot(wr_ref[...].astype(jnp.bfloat16), hi,
                               _DN[0])[:, None, :]

        ah, al = xh_ref[...], xl_ref[...]
        y_ref[:, 0 * bm:1 * bm] = _mm3(ah, al, wq_ref[...], _DN[0])
        y_ref[:, 1 * bm:2 * bm] = _mm3(ah, al, wk_ref[...], _DN[0])
        y_ref[:, 2 * bm:3 * bm] = _mm3(ah, al, wv_ref[...], _DN[0])

    return pl.pallas_call(
        body,
        grid=(_D // bm,),
        in_specs=[
            pl.BlockSpec((_T, _D), lambda i: (0, 0)),
            pl.BlockSpec((1, _D), lambda i: (0, 0)),
            pl.BlockSpec((_NH, _D), lambda i: (0, 0)),
            pl.BlockSpec((bm, _D), lambda i: (i, 0)),
            pl.BlockSpec((bm, _D), lambda i: (i, 0)),
            pl.BlockSpec((bm, _D), lambda i: (i, 0)),
        ],
        out_specs=[
            pl.BlockSpec((_T, 3 * bm), lambda i: (0, i)),
            pl.BlockSpec((_NH, 1, _T), lambda i: (0, 0, 0)),
        ],
        out_shape=[
            jax.ShapeDtypeStruct((_T, 3 * _D), jnp.float32),
            jax.ShapeDtypeStruct((_NH, 1, _T), jnp.float32),
        ],
        scratch_shapes=[
            pltpu.VMEM((_T, _D), jnp.bfloat16),
            pltpu.VMEM((_T, _D), jnp.bfloat16),
        ],
    )(x, g, wr, wq, wk, wv)


def _cumsum_row(c):
    n = c.shape[1]
    lanes = lax.broadcasted_iota(jnp.int32, c.shape, 1)
    sh = 1
    while sh < n:
        c = c + jnp.where(lanes >= sh, jnp.roll(c, sh, axis=1),
                          np.float32(0.0))
        sh *= 2
    return c


def _attn_call(y, rs):

    def one_head(s, qkv):
        bb = lax.bitcast_convert_type(s, jnp.int32)
        key = jnp.where(bb >= 0, bb, bb ^ np.int32(0x7FFFFFFF))
        mini = np.int32(-2147483648)

        def bs(i, p):
            cand = p | lax.shift_left(np.int32(1), (31 - i).astype(jnp.int32))
            cnt = jnp.sum((key >= (cand ^ mini)).astype(jnp.int32))
            return jnp.where(cnt >= _K, cand, p)

        thr = lax.fori_loop(0, 32, bs, np.int32(0)) ^ mini
        gt = key > thr
        eq = key == thr
        need = (_K - jnp.sum(gt.astype(jnp.int32))).astype(jnp.float32)
        tie_pos = _cumsum_row(eq.astype(jnp.float32))
        sel = gt | (eq & (tie_pos <= need))
        self_f = sel.astype(jnp.float32)
        rank = _cumsum_row(self_f) - self_f

        rr = lax.broadcasted_iota(jnp.int32, (_K, _T), 0)
        g1h = jnp.where((rr == rank.astype(jnp.int32)) & sel, np.float32(1.0),
                        np.float32(0.0)).astype(jnp.bfloat16)

        qh, ql = _split(qkv)
        gath = _dot(g1h, qh, _DNM[0]) + _dot(g1h, ql, _DNM[0])
        q = gath[:, 0 * _DHD:1 * _DHD]
        k = gath[:, 1 * _DHD:2 * _DHD]
        v = gath[:, 2 * _DHD:3 * _DHD]

        sc = _dothi(q, k, _DN[0]) * np.float32(_DHD ** -0.5)
        ri = lax.broadcasted_iota(jnp.int32, (_K, _K), 0)
        ci = lax.broadcasted_iota(jnp.int32, (_K, _K), 1)
        sc = jnp.where(ci <= ri, sc, np.float32(-1e30))
        mx = jnp.max(sc, axis=1, keepdims=True)
        p = jnp.exp(sc - mx)
        at = p / jnp.sum(p, axis=1, keepdims=True)
        oh = _dothi(at, v, _DNM[0])
        ohh, ohl = _split(oh)
        return _dot(g1h, ohh, _DNS[0]) + _dot(g1h, ohl, _DNS[0])

    def body(rs_ref, q_ref, k_ref, v_ref, o_ref):
        for hh in range(2):
            c = slice(hh * _DHD, (hh + 1) * _DHD)
            qkv = jnp.concatenate(
                [q_ref[:, c], k_ref[:, c], v_ref[:, c]], axis=1)
            o_ref[:, c] = one_head(rs_ref[hh, :, :], qkv)

    return pl.pallas_call(
        body,
        grid=(_NH // 2,),
        in_specs=[
            pl.BlockSpec((2, 1, _T), lambda p: (p, 0, 0)),
            pl.BlockSpec((_T, 128), lambda p: (0, (p // 2) * 6 + p % 2)),
            pl.BlockSpec((_T, 128), lambda p: (0, (p // 2) * 6 + p % 2 + 2)),
            pl.BlockSpec((_T, 128), lambda p: (0, (p // 2) * 6 + p % 2 + 4)),
        ],
        out_specs=pl.BlockSpec((_T, 128), lambda p: (0, p)),
        out_shape=jax.ShapeDtypeStruct((_T, _D), jnp.float32),
    )(rs, y, y, y)


def _oproj_call(x, attn, wo):
    bn = 512

    def body(x_ref, a_ref, w_ref, o_ref, ah_ref, al_ref):
        i = pl.program_id(0)

        @pl.when(i == 0)
        def _():
            hi, lo = _split(a_ref[...])
            ah_ref[...] = hi
            al_ref[...] = lo

        o_ref[...] = x_ref[...] + _mm3(ah_ref[...], al_ref[...],
                                       w_ref[...], _DN[0])

    return pl.pallas_call(
        body,
        grid=(_D // bn,),
        in_specs=[
            pl.BlockSpec((_T, bn), lambda i: (0, i)),
            pl.BlockSpec((_T, _D), lambda i: (0, 0)),
            pl.BlockSpec((bn, _D), lambda i: (i, 0)),
        ],
        out_specs=pl.BlockSpec((_T, bn), lambda i: (0, i)),
        out_shape=jax.ShapeDtypeStruct((_T, _D), jnp.float32),
        scratch_shapes=[
            pltpu.VMEM((_T, _D), jnp.bfloat16),
            pltpu.VMEM((_T, _D), jnp.bfloat16),
        ],
    )(x, attn, wo)


def _mlp_call(x, g, w1, b1, w2, b2):
    bk = 512

    def body(x_ref, g_ref, w1_ref, b1_ref, w2_ref, b2_ref, o_ref,
             xh_ref, xl_ref):
        i = pl.program_id(0)

        @pl.when(i == 0)
        def _():
            xn = _norm(x_ref[...], g_ref[...])
            hi, lo = _split(xn)
            xh_ref[...] = hi
            xl_ref[...] = lo

        h = _mm3(xh_ref[...], xl_ref[...], w1_ref[...], _DN[0]) + b1_ref[...]
        h = h * (np.float32(1.0) / (np.float32(1.0) + jnp.exp(-h)))
        hh, hl = _split(h)
        part = _mm3(hh, hl, w2_ref[...], _DN[0])

        @pl.when(i == 0)
        def _():
            o_ref[...] = x_ref[...] + b2_ref[...] + part

        @pl.when(i > 0)
        def _():
            o_ref[...] += part

    return pl.pallas_call(
        body,
        grid=(_F // bk,),
        in_specs=[
            pl.BlockSpec((_T, _D), lambda i: (0, 0)),
            pl.BlockSpec((1, _D), lambda i: (0, 0)),
            pl.BlockSpec((bk, _D), lambda i: (i, 0)),
            pl.BlockSpec((1, bk), lambda i: (0, i)),
            pl.BlockSpec((_D, bk), lambda i: (0, i)),
            pl.BlockSpec((1, _D), lambda i: (0, 0)),
        ],
        out_specs=pl.BlockSpec((_T, _D), lambda i: (0, 0)),
        out_shape=jax.ShapeDtypeStruct((_T, _D), jnp.float32),
        scratch_shapes=[
            pltpu.VMEM((_T, _D), jnp.bfloat16),
            pltpu.VMEM((_T, _D), jnp.bfloat16),
        ],
    )(x, g, w1, b1, w2, b2)


def _logits_call(x, emb):
    bn = 640

    def body(x_ref, e_ref, o_ref, xh_ref):
        i = pl.program_id(0)

        @pl.when(i == 0)
        def _():
            xh_ref[...] = x_ref[...].astype(jnp.bfloat16)

        o_ref[...] = _dot(xh_ref[...], e_ref[...].astype(jnp.bfloat16),
                          _DN[0])

    return pl.pallas_call(
        body,
        grid=(_NV // bn,),
        in_specs=[
            pl.BlockSpec((_T, _D), lambda i: (0, 0)),
            pl.BlockSpec((bn, _D), lambda i: (i, 0)),
        ],
        out_specs=pl.BlockSpec((_T, bn), lambda i: (0, i)),
        out_shape=jax.ShapeDtypeStruct((_T, _NV), jnp.float32),
        scratch_shapes=[pltpu.VMEM((_T, _D), jnp.bfloat16)],
    )(x, emb)


def kernel(tokens, token_emb, pos_emb, Wr, Wq, Wk, Wv, Wo,
           g1, g2, W1, b1, W2, b2):
    idx = tokens.reshape(_T).astype(jnp.int32)
    emb = _embed_sc(token_emb, idx)
    x = _add_call(emb, pos_emb)
    for i in range(4):
        y, rs = _qkvr_call(x, g1[i][None], Wq[i], Wk[i], Wv[i], Wr[i])
        attn = _attn_call(y, rs)
        x = _oproj_call(x, attn, Wo[i])
        x = _mlp_call(x, g2[i][None], W1[i], b1[i][None], W2[i], b2[i][None])
    return _logits_call(x, token_emb)[None]

# --- scband reference (transcript-rebuilt; emitter-appended) ---
"""Pipeline reference for scband-gpt-26233660244182 (READ-ONLY COPY).

The authoritative reference and input builder live on the scoring server;
editing this copy changes nothing except your own understanding.
"""

import jax, jax.numpy as jnp
import numpy as np

V = 32000
BLOCK = 2048
L = 4
D = 1024
H = 16
DH = 64
TOPK = 512
B = 1
T = 2048


def setup_inputs(seed: int = 0):
    key = jax.random.key(seed)
    ks = jax.random.split(key, 12)
    s = 0.02
    tokens = jax.random.randint(ks[0], (B, T), 0, V)
    token_emb = s * jax.random.normal(ks[1], (V, D), dtype=jnp.float32)
    pos_emb = s * jax.random.normal(ks[2], (BLOCK, D), dtype=jnp.float32)
    Wr = s * jax.random.normal(ks[3], (L, H, D), dtype=jnp.float32)
    Wq = s * jax.random.normal(ks[4], (L, D, D), dtype=jnp.float32)
    Wk = s * jax.random.normal(ks[5], (L, D, D), dtype=jnp.float32)
    Wv = s * jax.random.normal(ks[6], (L, D, D), dtype=jnp.float32)
    Wo = s * jax.random.normal(ks[7], (L, D, D), dtype=jnp.float32)
    g1 = jnp.ones((L, D), dtype=jnp.float32)
    g2 = jnp.ones((L, D), dtype=jnp.float32)
    W1 = s * jax.random.normal(ks[8], (L, 4 * D, D), dtype=jnp.float32)
    b1 = jnp.zeros((L, 4 * D), dtype=jnp.float32)
    W2 = s * jax.random.normal(ks[9], (L, D, 4 * D), dtype=jnp.float32)
    b2 = jnp.zeros((L, D), dtype=jnp.float32)
    return {"tokens": tokens, "token_emb": token_emb, "pos_emb": pos_emb,
            "Wr": Wr, "Wq": Wq, "Wk": Wk, "Wv": Wv, "Wo": Wo,
            "g1": g1, "g2": g2, "W1": W1, "b1": b1, "W2": W2, "b2": b2}


def _rmsnorm(x, g):
    eps = jnp.finfo(x.dtype).eps
    return x * jax.lax.rsqrt(jnp.mean(x * x, axis=-1, keepdims=True) + eps) * g


def _attn(x, wr, wq, wk, wv, wo):
    b, t, d = x.shape
    rs = jnp.einsum('btd,hd->bht', x, wr)
    kk = min(TOPK, t)
    _, idxs = jax.lax.top_k(rs, kk)
    q = (x @ wq.T).reshape(b, t, H, DH).transpose(0, 2, 1, 3)
    k = (x @ wk.T).reshape(b, t, H, DH).transpose(0, 2, 1, 3)
    v = (x @ wv.T).reshape(b, t, H, DH).transpose(0, 2, 1, 3)
    qh = jnp.take_along_axis(q, idxs[..., None], axis=2)
    kh = jnp.take_along_axis(k, idxs[..., None], axis=2)
    vh = jnp.take_along_axis(v, idxs[..., None], axis=2)
    sc = jnp.einsum('bhid,bhjd->bhij', qh, kh) * (DH ** -0.5)
    mask = idxs[:, :, :, None] >= idxs[:, :, None, :]
    sc = jnp.where(mask, sc, -jnp.inf)
    at = jax.nn.softmax(sc, axis=-1)
    oh = jnp.einsum('bhij,bhjd->bhid', at, vh)
    out = jnp.zeros_like(q)
    bi = jnp.arange(b)[:, None, None]
    hi = jnp.arange(H)[None, :, None]
    out = out.at[bi, hi, idxs].set(oh)
    out = out.transpose(0, 2, 1, 3).reshape(b, t, d)
    return out @ wo.T


def reference(tokens, token_emb, pos_emb, Wr, Wq, Wk, Wv, Wo, g1, g2, W1, b1, W2, b2):
    t = tokens.shape[1]
    x = token_emb[tokens] + pos_emb[jnp.arange(t)]
    for i in range(L):
        x = x + _attn(_rmsnorm(x, g1[i]), Wr[i], Wq[i], Wk[i], Wv[i], Wo[i])
        h = _rmsnorm(x, g2[i])
        h = h @ W1[i].T + b1[i]
        h = jax.nn.silu(h)
        h = h @ W2[i].T + b2[i]
        x = x + h
    logits = x @ token_emb.T
    return logits

if __name__ == "__main__":
    import jax
    _d = setup_inputs()
    print(jax.jit(kernel)(*tuple(_d.values())))

</pallas_src>

<mosaic_0001>
#map = affine_map<(d0, d1) -> (0, 0)>
#map1 = affine_map<(d0, d1) -> (0)>
module attributes {stable_mosaic.version = 14 : i64} {
  func.func @k(%arg0: i32, %arg1: i32, %arg2: memref<32000x1024xf32, #tpu.memory_space<hbm>>, %arg3: memref<2048xi32, #tpu.memory_space<hbm>>, %arg4: memref<2048x1024xf32, #tpu.memory_space<hbm>>, %arg5: memref<64xi32, #tpu.memory_space<vmem>>, %arg6: memref<64x1024xf32, #tpu.memory_space<vmem>>, %arg7: memref<!tpu.dma_semaphore, #tpu.memory_space<semaphore_mem>>) attributes {dimension_semantics = [#tpu.dimension_semantics<core_parallel>, #tpu.dimension_semantics<subcore_parallel>], iteration_bounds = array<i64: 2, 16>, scalar_prefetch = 0 : i64, scratch_operands = 3 : i64, tpu.core_type = #tpu.core_type<sc_vector_subcore>, window_params = [{transform_indices = #map}, {transform_indices = #map1}, {transform_indices = #map}]} {
    %mul3A = arith.constant 2 : i32
    %mul3A_0 = arith.muli %arg1, %mul3A : i32
    %add3A = arith.addi %mul3A_0, %arg0 : i32
    %mul3A_1 = arith.constant 64 : i32
    %mul3A_2 = arith.muli %add3A, %mul3A_1 : i32
    "tpu.region"() ({
      %run_scoped3A = tpu.sem_alloc : memref<!tpu.dma_semaphore, #tpu.memory_space<semaphore_mem>>
      %dma_start3A_7 = tpu.memref_slice %arg3[%mul3A_2] : memref<2048xi32, #tpu.memory_space<hbm>> -> memref<64xi32, #tpu.memory_space<hbm>>
      %dma_start3A_8 = tpu.memref_slice %arg3[%mul3A_2] : memref<2048xi32, #tpu.memory_space<hbm>> -> memref<64xi32, #tpu.memory_space<hbm>>
      tpu.enqueue_dma source(%dma_start3A_8 : memref<64xi32, #tpu.memory_space<hbm>>) target(%arg5 : memref<64xi32, #tpu.memory_space<vmem>>) target_semaphore(%run_scoped3A : memref<!tpu.dma_semaphore, #tpu.memory_space<semaphore_mem>>)
      %dma_wait3A_9 = tpu.memref_slice %arg3[%mul3A_2] : memref<2048xi32, #tpu.memory_space<hbm>> -> memref<64xi32, #tpu.memory_space<hbm>>
      %dma_wait3A_10 = tpu.memref_slice %arg3[%mul3A_2] : memref<2048xi32, #tpu.memory_space<hbm>> -> memref<64xi32, #tpu.memory_space<hbm>>
      tpu.wait_dma2 semaphore(%run_scoped3A : memref<!tpu.dma_semaphore, #tpu.memory_space<semaphore_mem>>) src(%dma_wait3A_10 : memref<64xi32, #tpu.memory_space<hbm>>) dst(%arg5 : memref<64xi32, #tpu.memory_space<vmem>>)
      tpu.yield
    }) : () -> ()
    %dma_start3A = arith.constant 0 : i32
    %dma_start3A_3 = arith.constant 0 : i32
    %dma_start3A_4 = tpu.memref_slice %arg2[%dma_start3A, %dma_start3A_3] : memref<32000x1024xf32, #tpu.memory_space<hbm>> -> memref<32000x1024xf32, #tpu.memory_space<hbm>>
    tpu.enqueue_indirect_dma source(%dma_start3A_4 : memref<32000x1024xf32, #tpu.memory_space<hbm>>) target(%arg6 : memref<64x1024xf32, #tpu.memory_space<vmem>>) offsets(%arg5 : memref<64xi32, #tpu.memory_space<vmem>>) semaphore(%arg7 : memref<!tpu.dma_semaphore, #tpu.memory_space<semaphore_mem>>)
    %dma_wait3A = arith.constant 0 : i32
    %dma_wait3A_5 = arith.constant 0 : i32
    %dma_wait3A_6 = tpu.memref_slice %arg2[%dma_wait3A, %dma_wait3A_5] : memref<32000x1024xf32, #tpu.memory_space<hbm>> -> memref<32000x1024xf32, #tpu.memory_space<hbm>>
    tpu.wait_indirect_dma semaphore(%arg7 : memref<!tpu.dma_semaphore, #tpu.memory_space<semaphore_mem>>) src(%dma_wait3A_6 : memref<32000x1024xf32, #tpu.memory_space<hbm>>) dst(%arg6 : memref<64x1024xf32, #tpu.memory_space<vmem>>)
    "tpu.region"() ({
      %run_scoped3A = tpu.sem_alloc : memref<!tpu.dma_semaphore, #tpu.memory_space<semaphore_mem>>
      %dma_start3A_7 = arith.constant 0 : i32
      %dma_start3A_8 = tpu.memref_slice %arg4[%mul3A_2, %dma_start3A_7] : memref<2048x1024xf32, #tpu.memory_space<hbm>> -> memref<64x1024xf32, #tpu.memory_space<hbm>>
      %dma_start3A_9 = arith.constant 0 : i32
      %dma_start3A_10 = tpu.memref_slice %arg4[%mul3A_2, %dma_start3A_9] : memref<2048x1024xf32, #tpu.memory_space<hbm>> -> memref<64x1024xf32, #tpu.memory_space<hbm>>
      tpu.enqueue_dma source(%arg6 : memref<64x1024xf32, #tpu.memory_space<vmem>>) target(%dma_start3A_10 : memref<64x1024xf32, #tpu.memory_space<hbm>>) target_semaphore(%run_scoped3A : memref<!tpu.dma_semaphore, #tpu.memory_space<semaphore_mem>>)
      %dma_wait3A_11 = arith.constant 0 : i32
      %dma_wait3A_12 = tpu.memref_slice %arg4[%mul3A_2, %dma_wait3A_11] : memref<2048x1024xf32, #tpu.memory_space<hbm>> -> memref<64x1024xf32, #tpu.memory_space<hbm>>
      %dma_wait3A_13 = arith.constant 0 : i32
      %dma_wait3A_14 = tpu.memref_slice %arg4[%mul3A_2, %dma_wait3A_13] : memref<2048x1024xf32, #tpu.memory_space<hbm>> -> memref<64x1024xf32, #tpu.memory_space<hbm>>
      tpu.wait_dma2 semaphore(%run_scoped3A : memref<!tpu.dma_semaphore, #tpu.memory_space<semaphore_mem>>) src(%arg6 : memref<64x1024xf32, #tpu.memory_space<vmem>>) dst(%dma_wait3A_14 : memref<64x1024xf32, #tpu.memory_space<hbm>>)
      tpu.yield
    }) : () -> ()
    return
  }
}

module attributes {stable_mosaic.version = 14 : i64} {
  func.func @body(%arg0: memref<2048x1024xf32, #tpu.memory_space<vmem>>, %arg1: memref<2048x1024xf32, #tpu.memory_space<vmem>>, %arg2: memref<2048x1024xf32, #tpu.memory_space<vmem>>) attributes {dimension_semantics = [], scalar_prefetch = 0 : i64, scratch_operands = 0 : i64, tpu.core_type = #tpu.core_type<tc>} {
    %get3A = arith.constant 0 : index
    %get3A_0 = arith.constant 0 : index
    %get3A_1 = vector.load %arg0[%get3A, %get3A_0] : memref<2048x1024xf32, #tpu.memory_space<vmem>>, vector<2048x1024xf32>
    %get3A_2 = arith.constant 0 : index
    %get3A_3 = arith.constant 0 : index
    %get3A_4 = vector.load %arg1[%get3A_2, %get3A_3] : memref<2048x1024xf32, #tpu.memory_space<vmem>>, vector<2048x1024xf32>
    %add3A = arith.addf %get3A_1, %get3A_4 : vector<2048x1024xf32>
    %swap3A = arith.constant 0 : index
    %swap3A_5 = arith.constant 0 : index
    %swap3A_6 = vector.load %arg2[%swap3A, %swap3A_5] : memref<2048x1024xf32, #tpu.memory_space<vmem>>, vector<2048x1024xf32>
    tpu.vector_store %arg2[%swap3A, %swap3A_5], %add3A {strides = array<i32>} : memref<2048x1024xf32, #tpu.memory_space<vmem>>, vector<2048x1024xf32>,
    return
  }
}

module attributes {stable_mosaic.version = 14 : i64} {
  func.func @body(%arg0: i32, %arg1: memref<2048x1024xf32, #tpu.memory_space<vmem>>, %arg2: memref<1x1024xf32, #tpu.memory_space<vmem>>, %arg3: memref<16x1024xf32, #tpu.memory_space<vmem>>, %arg4: memref<256x1024xf32, #tpu.memory_space<vmem>>, %arg5: memref<256x1024xf32, #tpu.memory_space<vmem>>, %arg6: memref<256x1024xf32, #tpu.memory_space<vmem>>, %arg7: memref<2048x768xf32, #tpu.memory_space<vmem>>, %arg8: memref<16x1x2048xf32, #tpu.memory_space<vmem>>, %arg9: memref<2048x1024xbf16, #tpu.memory_space<vmem>>, %arg10: memref<2048x1024xbf16, #tpu.memory_space<vmem>>) attributes {dimension_semantics = [#tpu.dimension_semantics<arbitrary>], iteration_bounds = array<i64: 4>, scalar_prefetch = 0 : i64, scratch_operands = 2 : i64, tpu.core_type = #tpu.core_type<tc>, window_params = [{pipeline_mode = #tpu.pipeline_mode<synchronous>, transform_indices = @transform_0, window_bounds = array<i64: 2048, 1024>}, {pipeline_mode = #tpu.pipeline_mode<synchronous>, transform_indices = @transform_1, window_bounds = array<i64: 1, 1024>}, {pipeline_mode = #tpu.pipeline_mode<synchronous>, transform_indices = @transform_2, window_bounds = array<i64: 16, 1024>}, {transform_indices = @transform_3, window_bounds = array<i64: 256, 1024>}, {transform_indices = @transform_4, window_bounds = array<i64: 256, 1024>}, {transform_indices = @transform_5, window_bounds = array<i64: 256, 1024>}, {transform_indices = @transform_6, window_bounds = array<i64: 2048, 768>}, {pipeline_mode = #tpu.pipeline_mode<synchronous>, transform_indices = @transform_7, window_bounds = array<i64: 16, 1, 2048>}]} {
    %eq3A = arith.constant 0 : i32
    %eq3A_0 = arith.cmpi eq, %arg0, %eq3A : i32
    %convert_element_type3A = arith.extui %eq3A_0 : i1 to i32
    %cond3A = arith.constant 0 : i32
    %cond3A_1 = arith.cmpi ne, %convert_element_type3A, %cond3A : i32
    scf.if %cond3A_1 {
      %get3A_29 = arith.constant 0 : index
      %get3A_30 = arith.constant 0 : index
      %get3A_31 = vector.load %arg1[%get3A_29, %get3A_30] : memref<2048x1024xf32, #tpu.memory_space<vmem>>, vector<2048x1024xf32>
      %get3A_32 = arith.constant 0 : index
      %get3A_33 = arith.constant 0 : index
      %get3A_34 = vector.load %arg2[%get3A_32, %get3A_33] : memref<1x1024xf32, #tpu.memory_space<vmem>>, vector<1x1024xf32>
      %mul3A = arith.mulf %get3A_31, %get3A_31 : vector<2048x1024xf32>
      %reduce_sum3A = arith.constant dense<0.000000e+00> : vector<2048xf32>
      %reduce_sum3A_35 = vector.multi_reduction <add>, %mul3A, %reduce_sum3A [1] : vector<2048x1024xf32> to vector<2048xf32>
      %broadcast_in_dim3A = vector.shape_cast %reduce_sum3A_35 : vector<2048xf32> to vector<2048x1xf32>
      %div3A = arith.constant 1.024000e+03 : f32
      %div3A_36 = vector.broadcast %div3A : f32 to vector<2048x1xf32>
      %div3A_37 = arith.divf %broadcast_in_dim3A, %div3A_36 : vector<2048x1xf32>
      %add3A = arith.constant 1.1920929E-7 : f32
      %add3A_38 = vector.broadcast %add3A : f32 to vector<2048x1xf32>
      %add3A_39 = arith.addf %div3A_37, %add3A_38 : vector<2048x1xf32>
      %rsqrt3A = math.rsqrt %add3A_39 : vector<2048x1xf32>
      %mul3A_40 = vector.broadcast %rsqrt3A : vector<2048x1xf32> to vector<2048x1024xf32>
      %mul3A_41 = arith.mulf %get3A_31, %mul3A_40 : vector<2048x1024xf32>
      %mul3A_42 = vector.broadcast %get3A_34 : vector<1x1024xf32> to vector<2048x1024xf32>
      %mul3A_43 = arith.mulf %mul3A_41, %mul3A_42 : vector<2048x1024xf32>
      %convert_element_type3A_44 = arith.truncf %mul3A_43 : vector<2048x1024xf32> to vector<2048x1024xbf16>
      %convert_element_type3A_45 = arith.extf %convert_element_type3A_44 : vector<2048x1024xbf16> to vector<2048x1024xf32>
      %sub3A = arith.subf %mul3A_43, %convert_element_type3A_45 : vector<2048x1024xf32>
      %convert_element_type3A_46 = arith.truncf %sub3A : vector<2048x1024xf32> to vector<2048x1024xbf16>
      %swap3A_47 = arith.constant 0 : index
      %swap3A_48 = arith.constant 0 : index
      %swap3A_49 = vector.load %arg9[%swap3A_47, %swap3A_48] : memref<2048x1024xbf16, #tpu.memory_space<vmem>>, vector<2048x1024xbf16>
      tpu.vector_store %arg9[%swap3A_47, %swap3A_48], %convert_element_type3A_44 {strides = array<i32>} : memref<2048x1024xbf16, #tpu.memory_space<vmem>>, vector<2048x1024xbf16>,
      %swap3A_50 = arith.constant 0 : index
      %swap3A_51 = arith.constant 0 : index
      %swap3A_52 = vector.load %arg10[%swap3A_50, %swap3A_51] : memref<2048x1024xbf16, #tpu.memory_space<vmem>>, vector<2048x1024xbf16>
      tpu.vector_store %arg10[%swap3A_50, %swap3A_51], %convert_element_type3A_46 {strides = array<i32>} : memref<2048x1024xbf16, #tpu.memory_space<vmem>>, vector<2048x1024xbf16>,
      %get3A_53 = arith.constant 0 : index
      %get3A_54 = arith.constant 0 : index
      %get3A_55 = vector.load %arg3[%get3A_53, %get3A_54] : memref<16x1024xf32, #tpu.memory_space<vmem>>, vector<16x1024xf32>
      %convert_element_type3A_56 = arith.truncf %get3A_55 : vector<16x1024xf32> to vector<16x1024xbf16>
      %dot_general3A_57 = arith.constant dense<0.000000e+00> : vector<16x2048xf32>
      %dot_general3A_58 = tpu.matmul %convert_element_type3A_56, %convert_element_type3A_44, %dot_general3A_57 {dimension_numbers = #tpu.dot_dimension_numbers<[1], [1], [0], [0], [0, 0, 1, 0], [], []>, transpose_lhs_hint = false} : vector<16x1024xbf16>, vector<2048x1024xbf16>, vector<16x2048xf32> -> vector<16x2048xf32>
      %broadcast_in_dim3A_59 = vector.shape_cast %dot_general3A_58 : vector<16x2048xf32> to vector<16x1x2048xf32>
      %swap3A_60 = arith.constant 0 : index
      %swap3A_61 = arith.constant 0 : index
      %swap3A_62 = arith.constant 0 : index
      %swap3A_63 = vector.load %arg8[%swap3A_60, %swap3A_61, %swap3A_62] : memref<16x1x2048xf32, #tpu.memory_space<vmem>>, vector<16x1x2048xf32>
      tpu.vector_store %arg8[%swap3A_60, %swap3A_61, %swap3A_62], %broadcast_in_dim3A_59 {strides = array<i32>} : memref<16x1x2048xf32, #tpu.memory_space<vmem>>, vector<16x1x2048xf32>,
    } else {
    }
    %get3A = arith.constant 0 : index
    %get3A_2 = arith.constant 0 : index
    %get3A_3 = vector.load %arg9[%get3A, %get3A_2] : memref<2048x1024xbf16, #tpu.memory_space<vmem>>, vector<2048x1024xbf16>
    %get3A_4 = arith.constant 0 : index
    %get3A_5 = arith.constant 0 : index
    %get3A_6 = vector.load %arg4[%get3A_4, %get3A_5] : memref<256x1024xf32, #tpu.memory_space<vmem>>, vector<256x1024xf32>
    %convert_element_type3A_7 = arith.truncf %get3A_6 : vector<256x1024xf32> to vector<256x1024xbf16>
    %dot_general3A = arith.constant dense<0.000000e+00> : vector<2048x256xf32>
    %dot_general3A_8 = tpu.matmul %get3A_3, %convert_element_type3A_7, %dot_general3A {dimension_numbers = #tpu.dot_dimension_numbers<[1], [1], [0], [0], [0, 0, 1, 0], [], []>, transpose_lhs_hint = false} : vector<2048x1024xbf16>, vector<256x1024xbf16>, vector<2048x256xf32> -> vector<2048x256xf32>
    %swap3A = arith.constant 0 : index
    %swap3A_9 = arith.constant 0 : index
    %swap3A_10 = vector.load %arg7[%swap3A, %swap3A_9] : memref<2048x768xf32, #tpu.memory_space<vmem>>, vector<2048x256xf32>
    tpu.vector_store %arg7[%swap3A, %swap3A_9], %dot_general3A_8 {strides = array<i32>} : memref<2048x768xf32, #tpu.memory_space<vmem>>, vector<2048x256xf32>,
    %get3A_11 = arith.constant 0 : index
    %get3A_12 = arith.constant 0 : index
    %get3A_13 = vector.load %arg5[%get3A_11, %get3A_12] : memref<256x1024xf32, #tpu.memory_space<vmem>>, vector<256x1024xf32>
    %convert_element_type3A_14 = arith.truncf %get3A_13 : vector<256x1024xf32> to vector<256x1024xbf16>
    %dot_general3A_15 = arith.constant dense<0.000000e+00> : vector<2048x256xf32>
    %dot_general3A_16 = tpu.matmul %get3A_3, %convert_element_type3A_14, %dot_general3A_15 {dimension_numbers = #tpu.dot_dimension_numbers<[1], [1], [0], [0], [0, 0, 1, 0], [], []>, transpose_lhs_hint = false} : vector<2048x1024xbf16>, vector<256x1024xbf16>, vector<2048x256xf32> -> vector<2048x256xf32>
    %swap3A_17 = arith.constant 0 : index
    %swap3A_18 = arith.constant 256 : index
    %swap3A_19 = vector.load %arg7[%swap3A_17, %swap3A_18] : memref<2048x768xf32, #tpu.memory_space<vmem>>, vector<2048x256xf32>
    tpu.vector_store %arg7[%swap3A_17, %swap3A_18], %dot_general3A_16 {strides = array<i32>} : memref<2048x768xf32, #tpu.memory_space<vmem>>, vector<2048x256xf32>,
    %get3A_20 = arith.constant 0 : index
    %get3A_21 = arith.constant 0 : index
    %get3A_22 = vector.load %arg6[%get3A_20, %get3A_21] : memref<256x1024xf32, #tpu.memory_space<vmem>>, vector<256x1024xf32>
    %convert_element_type3A_23 = arith.truncf %get3A_22 : vector<256x1024xf32> to vector<256x1024xbf16>
    %dot_general3A_24 = arith.constant dense<0.000000e+00> : vector<2048x256xf32>
    %dot_general3A_25 = tpu.matmul %get3A_3, %convert_element_type3A_23, %dot_general3A_24 {dimension_numbers = #tpu.dot_dimension_numbers<[1], [1], [0], [0], [0, 0, 1, 0], [], []>, transpose_lhs_hint = false} : vector<2048x1024xbf16>, vector<256x1024xbf16>, vector<2048x256xf32> -> vector<2048x256xf32>
    %swap3A_26 = arith.constant 0 : index
    %swap3A_27 = arith.constant 512 : index
    %swap3A_28 = vector.load %arg7[%swap3A_26, %swap3A_27] : memref<2048x768xf32, #tpu.memory_space<vmem>>, vector<2048x256xf32>
    tpu.vector_store %arg7[%swap3A_26, %swap3A_27], %dot_general3A_25 {strides = array<i32>} : memref<2048x768xf32, #tpu.memory_space<vmem>>, vector<2048x256xf32>,
    return
  }
  func.func @transform_0(%arg0: i32) -> (i32, i32) {
    %c0_i32 = arith.constant 0 : i32
    %c0_i32_0 = arith.constant 0 : i32
    %c0_i32_1 = arith.constant 0 : i32
    return %c0_i32, %c0_i32_0 : i32, i32
  }
  func.func @transform_1(%arg0: i32) -> (i32, i32) {
    %c0_i32 = arith.constant 0 : i32
    %c0_i32_0 = arith.constant 0 : i32
    %c0_i32_1 = arith.constant 0 : i32
    return %c0_i32, %c0_i32_0 : i32, i32
  }
  func.func @transform_2(%arg0: i32) -> (i32, i32) {
    %c0_i32 = arith.constant 0 : i32
    %c0_i32_0 = arith.constant 0 : i32
    %c0_i32_1 = arith.constant 0 : i32
    return %c0_i32, %c0_i32_0 : i32, i32
  }
  func.func @transform_3(%arg0: i32) -> (i32, i32) {
    %c0_i32 = arith.constant 0 : i32
    %c0_i32_0 = arith.constant 0 : i32
    return %arg0, %c0_i32 : i32, i32
  }
  func.func @transform_4(%arg0: i32) -> (i32, i32) {
    %c0_i32 = arith.constant 0 : i32
    %c0_i32_0 = arith.constant 0 : i32
    return %arg0, %c0_i32 : i32, i32
  }
  func.func @transform_5(%arg0: i32) -> (i32, i32) {
    %c0_i32 = arith.constant 0 : i32
    %c0_i32_0 = arith.constant 0 : i32
    return %arg0, %c0_i32 : i32, i32
  }
  func.func @transform_6(%arg0: i32) -> (i32, i32) {
    %c0_i32 = arith.constant 0 : i32
    %c0_i32_0 = arith.constant 0 : i32
    return %c0_i32, %arg0 : i32, i32
  }
  func.func @transform_7(%arg0: i32) -> (i32, i32, i32) {
    %c0_i32 = arith.constant 0 : i32
    %c0_i32_0 = arith.constant 0 : i32
    %c0_i32_1 = arith.constant 0 : i32
    %c0_i32_2 = arith.constant 0 : i32
    return %c0_i32, %c0_i32_0, %c0_i32_1 : i32, i32, i32
  }
}

module attributes {stable_mosaic.version = 14 : i64} {
  func.func @body(%arg0: i32, %arg1: memref<2x1x2048xf32, #tpu.memory_space<vmem>>, %arg2: memref<2048x128xf32, #tpu.memory_space<vmem>>, %arg3: memref<2048x128xf32, #tpu.memory_space<vmem>>, %arg4: memref<2048x128xf32, #tpu.memory_space<vmem>>, %arg5: memref<2048x128xf32, #tpu.memory_space<vmem>>) attributes {dimension_semantics = [#tpu.dimension_semantics<arbitrary>], iteration_bounds = array<i64: 8>, scalar_prefetch = 0 : i64, scratch_operands = 0 : i64, tpu.core_type = #tpu.core_type<tc>, window_params = [{transform_indices = @transform_0, window_bounds = array<i64: 2, 1, 2048>}, {transform_indices = @transform_1, window_bounds = array<i64: 2048, 128>}, {transform_indices = @transform_2, window_bounds = array<i64: 2048, 128>}, {transform_indices = @transform_3, window_bounds = array<i64: 2048, 128>}, {transform_indices = @transform_4, window_bounds = array<i64: 2048, 128>}]} {
    %get3A = arith.constant 0 : index
    %get3A_0 = arith.constant 0 : index
    %get3A_1 = vector.load %arg2[%get3A, %get3A_0] : memref<2048x128xf32, #tpu.memory_space<vmem>>, vector<2048x64xf32>
    %get3A_2 = arith.constant 0 : index
    %get3A_3 = arith.constant 0 : index
    %get3A_4 = vector.load %arg3[%get3A_2, %get3A_3] : memref<2048x128xf32, #tpu.memory_space<vmem>>, vector<2048x64xf32>
    %get3A_5 = arith.constant 0 : index
    %get3A_6 = arith.constant 0 : index
    %get3A_7 = vector.load %arg4[%get3A_5, %get3A_6] : memref<2048x128xf32, #tpu.memory_space<vmem>>, vector<2048x64xf32>
    %concatenate3A = tpu.concatenate %get3A_1, %get3A_4, %get3A_7 in 1 : vector<2048x64xf32>, vector<2048x64xf32>, vector<2048x64xf32> -> vector<2048x192xf32>
    %get3A_8 = arith.constant 0 : index
    %get3A_9 = arith.constant 0 : index
    %get3A_10 = arith.constant 0 : index
    %get3A_11 = vector.load %arg1[%get3A_8, %get3A_9, %get3A_10] : memref<2x1x2048xf32, #tpu.memory_space<vmem>>, vector<1x1x2048xf32>
    %get3A_12 = vector.shape_cast %get3A_11 : vector<1x1x2048xf32> to vector<1x2048xf32>
    %bitcast_convert_type3A = tpu.bitcast %get3A_12 : vector<1x2048xf32> -> vector<1x2048xi32>
    %ge3A = arith.constant 0 : i32
    %ge3A_13 = vector.broadcast %ge3A : i32 to vector<1x2048xi32>
    %ge3A_14 = arith.cmpi sge, %bitcast_convert_type3A, %ge3A_13 : vector<1x2048xi32>
    %xor3A = arith.constant 2147483647 : i32
    %xor3A_15 = vector.broadcast %xor3A : i32 to vector<1x2048xi32>
    %xor3A_16 = arith.xori %bitcast_convert_type3A, %xor3A_15 : vector<1x2048xi32>
    %select_n3A = arith.select %ge3A_14, %bitcast_convert_type3A, %xor3A_16 : vector<1x2048xi1>, vector<1x2048xi32>
    %scan3A = arith.constant 0 : i32
    %scan3A_17 = arith.constant 0 : i32
    %scan3A_18 = arith.constant 32 : i32
    %scan3A_19 = arith.addi %scan3A_17, %scan3A_18 : i32
    %scan3A_20 = arith.constant 1 : i32
    %scan3A_21 = scf.for %scan3A_646 = %scan3A_17 to %scan3A_19 step %scan3A_20 iter_args(%scan3A_647 = %scan3A) -> (i32)  : i32 {
      %sub3A_648 = arith.constant 31 : i32
      %sub3A_649 = arith.subi %sub3A_648, %scan3A_646 : i32
      %shift_left3A = arith.constant 1 : i32
      %shift_left3A_650 = arith.shli %shift_left3A, %sub3A_649 : i32
      %or3A_651 = arith.ori %scan3A_647, %shift_left3A_650 : i32
      %xor3A_652 = arith.constant -2147483648 : i32
      %xor3A_653 = arith.xori %or3A_651, %xor3A_652 : i32
      %ge3A_654 = vector.broadcast %xor3A_653 : i32 to vector<1x2048xi32>
      %ge3A_655 = arith.cmpi sge, %select_n3A, %ge3A_654 : vector<1x2048xi32>
      %convert_element_type3A_656 = arith.extui %ge3A_655 : vector<1x2048xi1> to vector<1x2048xi32>
      %reduce_sum3A_657 = vector.shape_cast %convert_element_type3A_656 : vector<1x2048xi32> to vector<1x1x2048xi32>
      %reduce_sum3A_658 = arith.constant dense<0> : vector<1xi32>
      %reduce_sum3A_659 = vector.multi_reduction <add>, %reduce_sum3A_657, %reduce_sum3A_658 [1, 2] : vector<1x1x2048xi32> to vector<1xi32>
      %reduce_sum3A_660 = vector.shape_cast %reduce_sum3A_659 : vector<1xi32> to vector<1x1x1xi32>
      %reduce_sum3A_661 = vector.extract %reduce_sum3A_660[0, 0, 0] : i32 from vector<1x1x1xi32>
      %ge3A_662 = arith.constant 512 : i32
      %ge3A_663 = arith.cmpi sge, %reduce_sum3A_661, %ge3A_662 : i32
      %select_n3A_664 = arith.select %ge3A_663, %or3A_651, %scan3A_647 : i32
      scf.yield %select_n3A_664 : i32
    }
    %scan3A_22 = arith.constant 32 : i32
    %xor3A_23 = arith.constant -2147483648 : i32
    %xor3A_24 = arith.xori %scan3A_21, %xor3A_23 : i32
    %gt3A = vector.broadcast %xor3A_24 : i32 to vector<1x2048xi32>
    %gt3A_25 = arith.cmpi sgt, %select_n3A, %gt3A : vector<1x2048xi32>
    %eq3A = vector.broadcast %xor3A_24 : i32 to vector<1x2048xi32>
    %eq3A_26 = arith.cmpi eq, %select_n3A, %eq3A : vector<1x2048xi32>
    %convert_element_type3A = arith.extui %gt3A_25 : vector<1x2048xi1> to vector<1x2048xi32>
    %reduce_sum3A = vector.shape_cast %convert_element_type3A : vector<1x2048xi32> to vector<1x1x2048xi32>
    %reduce_sum3A_27 = arith.constant dense<0> : vector<1xi32>
    %reduce_sum3A_28 = vector.multi_reduction <add>, %reduce_sum3A, %reduce_sum3A_27 [1, 2] : vector<1x1x2048xi32> to vector<1xi32>
    %reduce_sum3A_29 = vector.shape_cast %reduce_sum3A_28 : vector<1xi32> to vector<1x1x1xi32>
    %reduce_sum3A_30 = vector.extract %reduce_sum3A_29[0, 0, 0] : i32 from vector<1x1x1xi32>
    %sub3A = arith.constant 512 : i32
    %sub3A_31 = arith.subi %sub3A, %reduce_sum3A_30 : i32
    %convert_element_type3A_32 = arith.sitofp %sub3A_31 : i32 to f32
    %convert_element_type3A_33 = arith.extui %eq3A_26 : vector<1x2048xi1> to vector<1x2048xi32>
    %convert_element_type3A_34 = arith.sitofp %convert_element_type3A_33 : vector<1x2048xi32> to vector<1x2048xf32>
    %iota3A = tpu.iota {dimensions = array<i32: 1>} : vector<1x2048xi32>
    %ge3A_35 = arith.constant 1 : i32
    %ge3A_36 = vector.broadcast %ge3A_35 : i32 to vector<1x2048xi32>
    %ge3A_37 = arith.cmpi sge, %iota3A, %ge3A_36 : vector<1x2048xi32>
    %slice3A = vector.extract_strided_slice %convert_element_type3A_34 {offsets = [0, 2047], sizes = [1, 1], strides = [1, 1]} : vector<1x2048xf32> to vector<1x1xf32>
    %slice3A_38 = vector.extract_strided_slice %convert_element_type3A_34 {offsets = [0, 0], sizes = [1, 2047], strides = [1, 1]} : vector<1x2048xf32> to vector<1x2047xf32>
    %concatenate3A_39 = tpu.concatenate %slice3A, %slice3A_38 in 1 : vector<1x1xf32>, vector<1x2047xf32> -> vector<1x2048xf32>
    %jit3A = arith.constant 0.000000e+00 : f32
    %broadcast_in_dim3A = vector.broadcast %jit3A : f32 to vector<1x2048xf32>
    %select_n3A_40 = arith.select %ge3A_37, %concatenate3A_39, %broadcast_in_dim3A : vector<1x2048xi1>, vector<1x2048xf32>
    %add3A = arith.addf %convert_element_type3A_34, %select_n3A_40 : vector<1x2048xf32>
    %ge3A_41 = arith.constant 2 : i32
    %ge3A_42 = vector.broadcast %ge3A_41 : i32 to vector<1x2048xi32>
    %ge3A_43 = arith.cmpi sge, %iota3A, %ge3A_42 : vector<1x2048xi32>
    %slice3A_44 = vector.extract_strided_slice %add3A {offsets = [0, 2046], sizes = [1, 2], strides = [1, 1]} : vector<1x2048xf32> to vector<1x2xf32>
    %slice3A_45 = vector.extract_strided_slice %add3A {offsets = [0, 0], sizes = [1, 2046], strides = [1, 1]} : vector<1x2048xf32> to vector<1x2046xf32>
    %concatenate3A_46 = tpu.concatenate %slice3A_44, %slice3A_45 in 1 : vector<1x2xf32>, vector<1x2046xf32> -> vector<1x2048xf32>
    %jit3A_47 = arith.constant 0.000000e+00 : f32
    %broadcast_in_dim3A_48 = vector.broadcast %jit3A_47 : f32 to vector<1x2048xf32>
    %select_n3A_49 = arith.select %ge3A_43, %concatenate3A_46, %broadcast_in_dim3A_48 : vector<1x2048xi1>, vector<1x2048xf32>
    %add3A_50 = arith.addf %add3A, %select_n3A_49 : vector<1x2048xf32>
    %ge3A_51 = arith.constant 4 : i32
    %ge3A_52 = vector.broadcast %ge3A_51 : i32 to vector<1x2048xi32>
    %ge3A_53 = arith.cmpi sge, %iota3A, %ge3A_52 : vector<1x2048xi32>
    %slice3A_54 = vector.extract_strided_slice %add3A_50 {offsets = [0, 2044], sizes = [1, 4], strides = [1, 1]} : vector<1x2048xf32> to vector<1x4xf32>
    %slice3A_55 = vector.extract_strided_slice %add3A_50 {offsets = [0, 0], sizes = [1, 2044], strides = [1, 1]} : vector<1x2048xf32> to vector<1x2044xf32>
    %concatenate3A_56 = tpu.concatenate %slice3A_54, %slice3A_55 in 1 : vector<1x4xf32>, vector<1x2044xf32> -> vector<1x2048xf32>
    %jit3A_57 = arith.constant 0.000000e+00 : f32
    %broadcast_in_dim3A_58 = vector.broadcast %jit3A_57 : f32 to vector<1x2048xf32>
    %select_n3A_59 = arith.select %ge3A_53, %concatenate3A_56, %broadcast_in_dim3A_58 : vector<1x2048xi1>, vector<1x2048xf32>
    %add3A_60 = arith.addf %add3A_50, %select_n3A_59 : vector<1x2048xf32>
    %ge3A_61 = arith.constant 8 : i32
    %ge3A_62 = vector.broadcast %ge3A_61 : i32 to vector<1x2048xi32>
    %ge3A_63 = arith.cmpi sge, %iota3A, %ge3A_62 : vector<1x2048xi32>
    %slice3A_64 = vector.extract_strided_slice %add3A_60 {offsets = [0, 2040], sizes = [1, 8], strides = [1, 1]} : vector<1x2048xf32> to vector<1x8xf32>
    %slice3A_65 = vector.extract_strided_slice %add3A_60 {offsets = [0, 0], sizes = [1, 2040], strides = [1, 1]} : vector<1x2048xf32> to vector<1x2040xf32>
    %concatenate3A_66 = tpu.concatenate %slice3A_64, %slice3A_65 in 1 : vector<1x8xf32>, vector<1x2040xf32> -> vector<1x2048xf32>
    %jit3A_67 = arith.constant 0.000000e+00 : f32
    %broadcast_in_dim3A_68 = vector.broadcast %jit3A_67 : f32 to vector<1x2048xf32>
    %select_n3A_69 = arith.select %ge3A_63, %concatenate3A_66, %broadcast_in_dim3A_68 : vector<1x2048xi1>, vector<1x2048xf32>
    %add3A_70 = arith.addf %add3A_60, %select_n3A_69 : vector<1x2048xf32>
    %ge3A_71 = arith.constant 16 : i32
    %ge3A_72 = vector.broadcast %ge3A_71 : i32 to vector<1x2048xi32>
    %ge3A_73 = arith.cmpi sge, %iota3A, %ge3A_72 : vector<1x2048xi32>
    %slice3A_74 = vector.extract_strided_slice %add3A_70 {offsets = [0, 2032], sizes = [1, 16], strides = [1, 1]} : vector<1x2048xf32> to vector<1x16xf32>
    %slice3A_75 = vector.extract_strided_slice %add3A_70 {offsets = [0, 0], sizes = [1, 2032], strides = [1, 1]} : vector<1x2048xf32> to vector<1x2032xf32>
    %concatenate3A_76 = tpu.concatenate %slice3A_74, %slice3A_75 in 1 : vector<1x16xf32>, vector<1x2032xf32> -> vector<1x2048xf32>
    %jit3A_77 = arith.constant 0.000000e+00 : f32
    %broadcast_in_dim3A_78 = vector.broadcast %jit3A_77 : f32 to vector<1x2048xf32>
    %select_n3A_79 = arith.select %ge3A_73, %concatenate3A_76, %broadcast_in_dim3A_78 : vector<1x2048xi1>, vector<1x2048xf32>
    %add3A_80 = arith.addf %add3A_70, %select_n3A_79 : vector<1x2048xf32>
    %ge3A_81 = arith.constant 32 : i32
    %ge3A_82 = vector.broadcast %ge3A_81 : i32 to vector<1x2048xi32>
    %ge3A_83 = arith.cmpi sge, %iota3A, %ge3A_82 : vector<1x2048xi32>
    %slice3A_84 = vector.extract_strided_slice %add3A_80 {offsets = [0, 2016], sizes = [1, 32], strides = [1, 1]} : vector<1x2048xf32> to vector<1x32xf32>
    %slice3A_85 = vector.extract_strided_slice %add3A_80 {offsets = [0, 0], sizes = [1, 2016], strides = [1, 1]} : vector<1x2048xf32> to vector<1x2016xf32>
    %concatenate3A_86 = tpu.concatenate %slice3A_84, %slice3A_85 in 1 : vector<1x32xf32>, vector<1x2016xf32> -> vector<1x2048xf32>
    %jit3A_87 = arith.constant 0.000000e+00 : f32
    %broadcast_in_dim3A_88 = vector.broadcast %jit3A_87 : f32 to vector<1x2048xf32>
    %select_n3A_89 = arith.select %ge3A_83, %concatenate3A_86, %broadcast_in_dim3A_88 : vector<1x2048xi1>, vector<1x2048xf32>
    %add3A_90 = arith.addf %add3A_80, %select_n3A_89 : vector<1x2048xf32>
    %ge3A_91 = arith.constant 64 : i32
    %ge3A_92 = vector.broadcast %ge3A_91 : i32 to vector<1x2048xi32>
    %ge3A_93 = arith.cmpi sge, %iota3A, %ge3A_92 : vector<1x2048xi32>
    %slice3A_94 = vector.extract_strided_slice %add3A_90 {offsets = [0, 1984], sizes = [1, 64], strides = [1, 1]} : vector<1x2048xf32> to vector<1x64xf32>
    %slice3A_95 = vector.extract_strided_slice %add3A_90 {offsets = [0, 0], sizes = [1, 1984], strides = [1, 1]} : vector<1x2048xf32> to vector<1x1984xf32>
    %concatenate3A_96 = tpu.concatenate %slice3A_94, %slice3A_95 in 1 : vector<1x64xf32>, vector<1x1984xf32> -> vector<1x2048xf32>
    %jit3A_97 = arith.constant 0.000000e+00 : f32
    %broadcast_in_dim3A_98 = vector.broadcast %jit3A_97 : f32 to vector<1x2048xf32>
    %select_n3A_99 = arith.select %ge3A_93, %concatenate3A_96, %broadcast_in_dim3A_98 : vector<1x2048xi1>, vector<1x2048xf32>
    %add3A_100 = arith.addf %add3A_90, %select_n3A_99 : vector<1x2048xf32>
    %ge3A_101 = arith.constant 128 : i32
    %ge3A_102 = vector.broadcast %ge3A_101 : i32 to vector<1x2048xi32>
    %ge3A_103 = arith.cmpi sge, %iota3A, %ge3A_102 : vector<1x2048xi32>
    %slice3A_104 = vector.extract_strided_slice %add3A_100 {offsets = [0, 1920], sizes = [1, 128], strides = [1, 1]} : vector<1x2048xf32> to vector<1x128xf32>
    %slice3A_105 = vector.extract_strided_slice %add3A_100 {offsets = [0, 0], sizes = [1, 1920], strides = [1, 1]} : vector<1x2048xf32> to vector<1x1920xf32>
    %concatenate3A_106 = tpu.concatenate %slice3A_104, %slice3A_105 in 1 : vector<1x128xf32>, vector<1x1920xf32> -> vector<1x2048xf32>
    %jit3A_107 = arith.constant 0.000000e+00 : f32
    %broadcast_in_dim3A_108 = vector.broadcast %jit3A_107 : f32 to vector<1x2048xf32>
    %select_n3A_109 = arith.select %ge3A_103, %concatenate3A_106, %broadcast_in_dim3A_108 : vector<1x2048xi1>, vector<1x2048xf32>
    %add3A_110 = arith.addf %add3A_100, %select_n3A_109 : vector<1x2048xf32>
    %ge3A_111 = arith.constant 256 : i32
    %ge3A_112 = vector.broadcast %ge3A_111 : i32 to vector<1x2048xi32>
    %ge3A_113 = arith.cmpi sge, %iota3A, %ge3A_112 : vector<1x2048xi32>
    %slice3A_114 = vector.extract_strided_slice %add3A_110 {offsets = [0, 1792], sizes = [1, 256], strides = [1, 1]} : vector<1x2048xf32> to vector<1x256xf32>
    %slice3A_115 = vector.extract_strided_slice %add3A_110 {offsets = [0, 0], sizes = [1, 1792], strides = [1, 1]} : vector<1x2048xf32> to vector<1x1792xf32>
    %concatenate3A_116 = tpu.concatenate %slice3A_114, %slice3A_115 in 1 : vector<1x256xf32>, vector<1x1792xf32> -> vector<1x2048xf32>
    %jit3A_117 = arith.constant 0.000000e+00 : f32
    %broadcast_in_dim3A_118 = vector.broadcast %jit3A_117 : f32 to vector<1x2048xf32>
    %select_n3A_119 = arith.select %ge3A_113, %concatenate3A_116, %broadcast_in_dim3A_118 : vector<1x2048xi1>, vector<1x2048xf32>
    %add3A_120 = arith.addf %add3A_110, %select_n3A_119 : vector<1x2048xf32>
    %ge3A_121 = arith.constant 512 : i32
    %ge3A_122 = vector.broadcast %ge3A_121 : i32 to vector<1x2048xi32>
    %ge3A_123 = arith.cmpi sge, %iota3A, %ge3A_122 : vector<1x2048xi32>
    %slice3A_124 = vector.extract_strided_slice %add3A_120 {offsets = [0, 1536], sizes = [1, 512], strides = [1, 1]} : vector<1x2048xf32> to vector<1x512xf32>
    %slice3A_125 = vector.extract_strided_slice %add3A_120 {offsets = [0, 0], sizes = [1, 1536], strides = [1, 1]} : vector<1x2048xf32> to vector<1x1536xf32>
    %concatenate3A_126 = tpu.concatenate %slice3A_124, %slice3A_125 in 1 : vector<1x512xf32>, vector<1x1536xf32> -> vector<1x2048xf32>
    %jit3A_127 = arith.constant 0.000000e+00 : f32
    %broadcast_in_dim3A_128 = vector.broadcast %jit3A_127 : f32 to vector<1x2048xf32>
    %select_n3A_129 = arith.select %ge3A_123, %concatenate3A_126, %broadcast_in_dim3A_128 : vector<1x2048xi1>, vector<1x2048xf32>
    %add3A_130 = arith.addf %add3A_120, %select_n3A_129 : vector<1x2048xf32>
    %ge3A_131 = arith.constant 1024 : i32
    %ge3A_132 = vector.broadcast %ge3A_131 : i32 to vector<1x2048xi32>
    %ge3A_133 = arith.cmpi sge, %iota3A, %ge3A_132 : vector<1x2048xi32>
    %slice3A_134 = vector.extract_strided_slice %add3A_130 {offsets = [0, 1024], sizes = [1, 1024], strides = [1, 1]} : vector<1x2048xf32> to vector<1x1024xf32>
    %slice3A_135 = vector.extract_strided_slice %add3A_130 {offsets = [0, 0], sizes = [1, 1024], strides = [1, 1]} : vector<1x2048xf32> to vector<1x1024xf32>
    %concatenate3A_136 = tpu.concatenate %slice3A_134, %slice3A_135 in 1 : vector<1x1024xf32>, vector<1x1024xf32> -> vector<1x2048xf32>
    %jit3A_137 = arith.constant 0.000000e+00 : f32
    %broadcast_in_dim3A_138 = vector.broadcast %jit3A_137 : f32 to vector<1x2048xf32>
    %select_n3A_139 = arith.select %ge3A_133, %concatenate3A_136, %broadcast_in_dim3A_138 : vector<1x2048xi1>, vector<1x2048xf32>
    %add3A_140 = arith.addf %add3A_130, %select_n3A_139 : vector<1x2048xf32>
    %le3A = vector.broadcast %convert_element_type3A_32 : f32 to vector<1x2048xf32>
    %le3A_141 = arith.cmpf ole, %add3A_140, %le3A : vector<1x2048xf32>
    %and3A = arith.andi %eq3A_26, %le3A_141 : vector<1x2048xi1>
    %or3A = arith.ori %gt3A_25, %and3A : vector<1x2048xi1>
    %convert_element_type3A_142 = arith.extui %or3A : vector<1x2048xi1> to vector<1x2048xi32>
    %convert_element_type3A_143 = arith.sitofp %convert_element_type3A_142 : vector<1x2048xi32> to vector<1x2048xf32>
    %iota3A_144 = tpu.iota {dimensions = array<i32: 1>} : vector<1x2048xi32>
    %ge3A_145 = arith.constant 1 : i32
    %ge3A_146 = vector.broadcast %ge3A_145 : i32 to vector<1x2048xi32>
    %ge3A_147 = arith.cmpi sge, %iota3A_144, %ge3A_146 : vector<1x2048xi32>
    %slice3A_148 = vector.extract_strided_slice %convert_element_type3A_143 {offsets = [0, 2047], sizes = [1, 1], strides = [1, 1]} : vector<1x2048xf32> to vector<1x1xf32>
    %slice3A_149 = vector.extract_strided_slice %convert_element_type3A_143 {offsets = [0, 0], sizes = [1, 2047], strides = [1, 1]} : vector<1x2048xf32> to vector<1x2047xf32>
    %concatenate3A_150 = tpu.concatenate %slice3A_148, %slice3A_149 in 1 : vector<1x1xf32>, vector<1x2047xf32> -> vector<1x2048xf32>
    %jit3A_151 = arith.constant 0.000000e+00 : f32
    %broadcast_in_dim3A_152 = vector.broadcast %jit3A_151 : f32 to vector<1x2048xf32>
    %select_n3A_153 = arith.select %ge3A_147, %concatenate3A_150, %broadcast_in_dim3A_152 : vector<1x2048xi1>, vector<1x2048xf32>
    %add3A_154 = arith.addf %convert_element_type3A_143, %select_n3A_153 : vector<1x2048xf32>
    %ge3A_155 = arith.constant 2 : i32
    %ge3A_156 = vector.broadcast %ge3A_155 : i32 to vector<1x2048xi32>
    %ge3A_157 = arith.cmpi sge, %iota3A_144, %ge3A_156 : vector<1x2048xi32>
    %slice3A_158 = vector.extract_strided_slice %add3A_154 {offsets = [0, 2046], sizes = [1, 2], strides = [1, 1]} : vector<1x2048xf32> to vector<1x2xf32>
    %slice3A_159 = vector.extract_strided_slice %add3A_154 {offsets = [0, 0], sizes = [1, 2046], strides = [1, 1]} : vector<1x2048xf32> to vector<1x2046xf32>
    %concatenate3A_160 = tpu.concatenate %slice3A_158, %slice3A_159 in 1 : vector<1x2xf32>, vector<1x2046xf32> -> vector<1x2048xf32>
    %jit3A_161 = arith.constant 0.000000e+00 : f32
    %broadcast_in_dim3A_162 = vector.broadcast %jit3A_161 : f32 to vector<1x2048xf32>
    %select_n3A_163 = arith.select %ge3A_157, %concatenate3A_160, %broadcast_in_dim3A_162 : vector<1x2048xi1>, vector<1x2048xf32>
    %add3A_164 = arith.addf %add3A_154, %select_n3A_163 : vector<1x2048xf32>
    %ge3A_165 = arith.constant 4 : i32
    %ge3A_166 = vector.broadcast %ge3A_165 : i32 to vector<1x2048xi32>
    %ge3A_167 = arith.cmpi sge, %iota3A_144, %ge3A_166 : vector<1x2048xi32>
    %slice3A_168 = vector.extract_strided_slice %add3A_164 {offsets = [0, 2044], sizes = [1, 4], strides = [1, 1]} : vector<1x2048xf32> to vector<1x4xf32>
    %slice3A_169 = vector.extract_strided_slice %add3A_164 {offsets = [0, 0], sizes = [1, 2044], strides = [1, 1]} : vector<1x2048xf32> to vector<1x2044xf32>
    %concatenate3A_170 = tpu.concatenate %slice3A_168, %slice3A_169 in 1 : vector<1x4xf32>, vector<1x2044xf32> -> vector<1x2048xf32>
    %jit3A_171 = arith.constant 0.000000e+00 : f32
    %broadcast_in_dim3A_172 = vector.broadcast %jit3A_171 : f32 to vector<1x2048xf32>
    %select_n3A_173 = arith.select %ge3A_167, %concatenate3A_170, %broadcast_in_dim3A_172 : vector<1x2048xi1>, vector<1x2048xf32>
    %add3A_174 = arith.addf %add3A_164, %select_n3A_173 : vector<1x2048xf32>
    %ge3A_175 = arith.constant 8 : i32
    %ge3A_176 = vector.broadcast %ge3A_175 : i32 to vector<1x2048xi32>
    %ge3A_177 = arith.cmpi sge, %iota3A_144, %ge3A_176 : vector<1x2048xi32>
    %slice3A_178 = vector.extract_strided_slice %add3A_174 {offsets = [0, 2040], sizes = [1, 8], strides = [1, 1]} : vector<1x2048xf32> to vector<1x8xf32>
    %slice3A_179 = vector.extract_strided_slice %add3A_174 {offsets = [0, 0], sizes = [1, 2040], strides = [1, 1]} : vector<1x2048xf32> to vector<1x2040xf32>
    %concatenate3A_180 = tpu.concatenate %slice3A_178, %slice3A_179 in 1 : vector<1x8xf32>, vector<1x2040xf32> -> vector<1x2048xf32>
    %jit3A_181 = arith.constant 0.000000e+00 : f32
    %broadcast_in_dim3A_182 = vector.broadcast %jit3A_181 : f32 to vector<1x2048xf32>
    %select_n3A_183 = arith.select %ge3A_177, %concatenate3A_180, %broadcast_in_dim3A_182 : vector<1x2048xi1>, vector<1x2048xf32>
    %add3A_184 = arith.addf %add3A_174, %select_n3A_183 : vector<1x2048xf32>
    %ge3A_185 = arith.constant 16 : i32
    %ge3A_186 = vector.broadcast %ge3A_185 : i32 to vector<1x2048xi32>
    %ge3A_187 = arith.cmpi sge, %iota3A_144, %ge3A_186 : vector<1x2048xi32>
    %slice3A_188 = vector.extract_strided_slice %add3A_184 {offsets = [0, 2032], sizes = [1, 16], strides = [1, 1]} : vector<1x2048xf32> to vector<1x16xf32>
    %slice3A_189 = vector.extract_strided_slice %add3A_184 {offsets = [0, 0], sizes = [1, 2032], strides = [1, 1]} : vector<1x2048xf32> to vector<1x2032xf32>
    %concatenate3A_190 = tpu.concatenate %slice3A_188, %slice3A_189 in 1 : vector<1x16xf32>, vector<1x2032xf32> -> vector<1x2048xf32>
    %jit3A_191 = arith.constant 0.000000e+00 : f32
    %broadcast_in_dim3A_192 = vector.broadcast %jit3A_191 : f32 to vector<1x2048xf32>
    %select_n3A_193 = arith.select %ge3A_187, %concatenate3A_190, %broadcast_in_dim3A_192 : vector<1x2048xi1>, vector<1x2048xf32>
    %add3A_194 = arith.addf %add3A_184, %select_n3A_193 : vector<1x2048xf32>
    %ge3A_195 = arith.constant 32 : i32
    %ge3A_196 = vector.broadcast %ge3A_195 : i32 to vector<1x2048xi32>
    %ge3A_197 = arith.cmpi sge, %iota3A_144, %ge3A_196 : vector<1x2048xi32>
    %slice3A_198 = vector.extract_strided_slice %add3A_194 {offsets = [0, 2016], sizes = [1, 32], strides = [1, 1]} : vector<1x2048xf32> to vector<1x32xf32>
    %slice3A_199 = vector.extract_strided_slice %add3A_194 {offsets = [0, 0], sizes = [1, 2016], strides = [1, 1]} : vector<1x2048xf32> to vector<1x2016xf32>
    %concatenate3A_200 = tpu.concatenate %slice3A_198, %slice3A_199 in 1 : vector<1x32xf32>, vector<1x2016xf32> -> vector<1x2048xf32>
    %jit3A_201 = arith.constant 0.000000e+00 : f32
    %broadcast_in_dim3A_202 = vector.broadcast %jit3A_201 : f32 to vector<1x2048xf32>
    %select_n3A_203 = arith.select %ge3A_197, %concatenate3A_200, %broadcast_in_dim3A_202 : vector<1x2048xi1>, vector<1x2048xf32>
    %add3A_204 = arith.addf %add3A_194, %select_n3A_203 : vector<1x2048xf32>
    %ge3A_205 = arith.constant 64 : i32
    %ge3A_206 = vector.broadcast %ge3A_205 : i32 to vector<1x2048xi32>
    %ge3A_207 = arith.cmpi sge, %iota3A_144, %ge3A_206 : vector<1x2048xi32>
    %slice3A_208 = vector.extract_strided_slice %add3A_204 {offsets = [0, 1984], sizes = [1, 64], strides = [1, 1]} : vector<1x2048xf32> to vector<1x64xf32>
    %slice3A_209 = vector.extract_strided_slice %add3A_204 {offsets = [0, 0], sizes = [1, 1984], strides = [1, 1]} : vector<1x2048xf32> to vector<1x1984xf32>
    %concatenate3A_210 = tpu.concatenate %slice3A_208, %slice3A_209 in 1 : vector<1x64xf32>, vector<1x1984xf32> -> vector<1x2048xf32>
    %jit3A_211 = arith.constant 0.000000e+00 : f32
    %broadcast_in_dim3A_212 = vector.broadcast %jit3A_211 : f32 to vector<1x2048xf32>
    %select_n3A_213 = arith.select %ge3A_207, %concatenate3A_210, %broadcast_in_dim3A_212 : vector<1x2048xi1>, vector<1x2048xf32>
    %add3A_214 = arith.addf %add3A_204, %select_n3A_213 : vector<1x2048xf32>
    %ge3A_215 = arith.constant 128 : i32
    %ge3A_216 = vector.broadcast %ge3A_215 : i32 to vector<1x2048xi32>
    %ge3A_217 = arith.cmpi sge, %iota3A_144, %ge3A_216 : vector<1x2048xi32>
    %slice3A_218 = vector.extract_strided_slice %add3A_214 {offsets = [0, 1920], sizes = [1, 128], strides = [1, 1]} : vector<1x2048xf32> to vector<1x128xf32>
    %slice3A_219 = vector.extract_strided_slice %add3A_214 {offsets = [0, 0], sizes = [1, 1920], strides = [1, 1]} : vector<1x2048xf32> to vector<1x1920xf32>
    %concatenate3A_220 = tpu.concatenate %slice3A_218, %slice3A_219 in 1 : vector<1x128xf32>, vector<1x1920xf32> -> vector<1x2048xf32>
    %jit3A_221 = arith.constant 0.000000e+00 : f32
    %broadcast_in_dim3A_222 = vector.broadcast %jit3A_221 : f32 to vector<1x2048xf32>
    %select_n3A_223 = arith.select %ge3A_217, %concatenate3A_220, %broadcast_in_dim3A_222 : vector<1x2048xi1>, vector<1x2048xf32>
    %add3A_224 = arith.addf %add3A_214, %select_n3A_223 : vector<1x2048xf32>
    %ge3A_225 = arith.constant 256 : i32
    %ge3A_226 = vector.broadcast %ge3A_225 : i32 to vector<1x2048xi32>
    %ge3A_227 = arith.cmpi sge, %iota3A_144, %ge3A_226 : vector<1x2048xi32>
    %slice3A_228 = vector.extract_strided_slice %add3A_224 {offsets = [0, 1792], sizes = [1, 256], strides = [1, 1]} : vector<1x2048xf32> to vector<1x256xf32>
    %slice3A_229 = vector.extract_strided_slice %add3A_224 {offsets = [0, 0], sizes = [1, 1792], strides = [1, 1]} : vector<1x2048xf32> to vector<1x1792xf32>
    %concatenate3A_230 = tpu.concatenate %slice3A_228, %slice3A_229 in 1 : vector<1x256xf32>, vector<1x1792xf32> -> vector<1x2048xf32>
    %jit3A_231 = arith.constant 0.000000e+00 : f32
    %broadcast_in_dim3A_232 = vector.broadcast %jit3A_231 : f32 to vector<1x2048xf32>
    %select_n3A_233 = arith.select %ge3A_227, %concatenate3A_230, %broadcast_in_dim3A_232 : vector<1x2048xi1>, vector<1x2048xf32>
    %add3A_234 = arith.addf %add3A_224, %select_n3A_233 : vector<1x2048xf32>
    %ge3A_235 = arith.constant 512 : i32
    %ge3A_236 = vector.broadcast %ge3A_235 : i32 to vector<1x2048xi32>
    %ge3A_237 = arith.cmpi sge, %iota3A_144, %ge3A_236 : vector<1x2048xi32>
    %slice3A_238 = vector.extract_strided_slice %add3A_234 {offsets = [0, 1536], sizes = [1, 512], strides = [1, 1]} : vector<1x2048xf32> to vector<1x512xf32>
    %slice3A_239 = vector.extract_strided_slice %add3A_234 {offsets = [0, 0], sizes = [1, 1536], strides = [1, 1]} : vector<1x2048xf32> to vector<1x1536xf32>
    %concatenate3A_240 = tpu.concatenate %slice3A_238, %slice3A_239 in 1 : vector<1x512xf32>, vector<1x1536xf32> -> vector<1x2048xf32>
    %jit3A_241 = arith.constant 0.000000e+00 : f32
    %broadcast_in_dim3A_242 = vector.broadcast %jit3A_241 : f32 to vector<1x2048xf32>
    %select_n3A_243 = arith.select %ge3A_237, %concatenate3A_240, %broadcast_in_dim3A_242 : vector<1x2048xi1>, vector<1x2048xf32>
    %add3A_244 = arith.addf %add3A_234, %select_n3A_243 : vector<1x2048xf32>
    %ge3A_245 = arith.constant 1024 : i32
    %ge3A_246 = vector.broadcast %ge3A_245 : i32 to vector<1x2048xi32>
    %ge3A_247 = arith.cmpi sge, %iota3A_144, %ge3A_246 : vector<1x2048xi32>
    %slice3A_248 = vector.extract_strided_slice %add3A_244 {offsets = [0, 1024], sizes = [1, 1024], strides = [1, 1]} : vector<1x2048xf32> to vector<1x1024xf32>
    %slice3A_249 = vector.extract_strided_slice %add3A_244 {offsets = [0, 0], sizes = [1, 1024], strides = [1, 1]} : vector<1x2048xf32> to vector<1x1024xf32>
    %concatenate3A_250 = tpu.concatenate %slice3A_248, %slice3A_249 in 1 : vector<1x1024xf32>, vector<1x1024xf32> -> vector<1x2048xf32>
    %jit3A_251 = arith.constant 0.000000e+00 : f32
    %broadcast_in_dim3A_252 = vector.broadcast %jit3A_251 : f32 to vector<1x2048xf32>
    %select_n3A_253 = arith.select %ge3A_247, %concatenate3A_250, %broadcast_in_dim3A_252 : vector<1x2048xi1>, vector<1x2048xf32>
    %add3A_254 = arith.addf %add3A_244, %select_n3A_253 : vector<1x2048xf32>
    %sub3A_255 = arith.subf %add3A_254, %convert_element_type3A_143 : vector<1x2048xf32>
    %iota3A_256 = tpu.iota {dimensions = array<i32: 0>} : vector<512x2048xi32>
    %convert_element_type3A_257 = arith.fptosi %sub3A_255 : vector<1x2048xf32> to vector<1x2048xi32>
    %eq3A_258 = vector.broadcast %convert_element_type3A_257 : vector<1x2048xi32> to vector<512x2048xi32>
    %eq3A_259 = arith.cmpi eq, %iota3A_256, %eq3A_258 : vector<512x2048xi32>
    %and3A_260 = vector.broadcast %or3A : vector<1x2048xi1> to vector<512x2048xi1>
    %and3A_261 = arith.andi %eq3A_259, %and3A_260 : vector<512x2048xi1>
    %jit3A_262 = arith.constant 1.000000e+00 : f32
    %jit3A_263 = arith.constant 0.000000e+00 : f32
    %broadcast_in_dim3A_264 = vector.broadcast %jit3A_262 : f32 to vector<512x2048xf32>
    %broadcast_in_dim3A_265 = vector.broadcast %jit3A_263 : f32 to vector<512x2048xf32>
    %select_n3A_266 = arith.select %and3A_261, %broadcast_in_dim3A_264, %broadcast_in_dim3A_265 : vector<512x2048xi1>, vector<512x2048xf32>
    %convert_element_type3A_267 = arith.truncf %select_n3A_266 : vector<512x2048xf32> to vector<512x2048xbf16>
    %convert_element_type3A_268 = arith.truncf %concatenate3A : vector<2048x192xf32> to vector<2048x192xbf16>
    %convert_element_type3A_269 = arith.extf %convert_element_type3A_268 : vector<2048x192xbf16> to vector<2048x192xf32>
    %sub3A_270 = arith.subf %concatenate3A, %convert_element_type3A_269 : vector<2048x192xf32>
    %convert_element_type3A_271 = arith.truncf %sub3A_270 : vector<2048x192xf32> to vector<2048x192xbf16>
    %dot_general3A = arith.constant dense<0.000000e+00> : vector<512x192xf32>
    %dot_general3A_272 = tpu.matmul %convert_element_type3A_267, %convert_element_type3A_268, %dot_general3A {dimension_numbers = #tpu.dot_dimension_numbers<[1], [0], [0], [1], [0, 0, 1, 1], [], []>, transpose_lhs_hint = false} : vector<512x2048xbf16>, vector<2048x192xbf16>, vector<512x192xf32> -> vector<512x192xf32>
    %dot_general3A_273 = arith.constant dense<0.000000e+00> : vector<512x192xf32>
    %dot_general3A_274 = tpu.matmul %convert_element_type3A_267, %convert_element_type3A_271, %dot_general3A_273 {dimension_numbers = #tpu.dot_dimension_numbers<[1], [0], [0], [1], [0, 0, 1, 1], [], []>, transpose_lhs_hint = false} : vector<512x2048xbf16>, vector<2048x192xbf16>, vector<512x192xf32> -> vector<512x192xf32>
    %add3A_275 = arith.addf %dot_general3A_272, %dot_general3A_274 : vector<512x192xf32>
    %slice3A_276 = vector.extract_strided_slice %add3A_275 {offsets = [0, 0], sizes = [512, 64], strides = [1, 1]} : vector<512x192xf32> to vector<512x64xf32>
    %slice3A_277 = vector.extract_strided_slice %add3A_275 {offsets = [0, 64], sizes = [512, 64], strides = [1, 1]} : vector<512x192xf32> to vector<512x64xf32>
    %slice3A_278 = vector.extract_strided_slice %add3A_275 {offsets = [0, 128], sizes = [512, 64], strides = [1, 1]} : vector<512x192xf32> to vector<512x64xf32>
    %dot_general3A_279 = arith.constant dense<0.000000e+00> : vector<512x512xf32>
    %dot_general3A_280 = tpu.matmul %slice3A_276, %slice3A_277, %dot_general3A_279 {dimension_numbers = #tpu.dot_dimension_numbers<[1], [1], [0], [0], [0, 0, 1, 0], [], []>, precision = #tpu.contract_precision<fp32>, transpose_lhs_hint = false} : vector<512x64xf32>, vector<512x64xf32>, vector<512x512xf32> -> vector<512x512xf32>
    %mul3A = arith.constant 1.250000e-01 : f32
    %mul3A_281 = vector.broadcast %mul3A : f32 to vector<512x512xf32>
    %mul3A_282 = arith.mulf %dot_general3A_280, %mul3A_281 : vector<512x512xf32>
    %iota3A_283 = tpu.iota {dimensions = array<i32: 0>} : vector<512x512xi32>
    %iota3A_284 = tpu.iota {dimensions = array<i32: 1>} : vector<512x512xi32>
    %le3A_285 = arith.cmpi sle, %iota3A_284, %iota3A_283 : vector<512x512xi32>
    %jit3A_286 = arith.constant -1.000000e+30 : f32
    %broadcast_in_dim3A_287 = vector.broadcast %jit3A_286 : f32 to vector<512x512xf32>
    %select_n3A_288 = arith.select %le3A_285, %mul3A_282, %broadcast_in_dim3A_287 : vector<512x512xi1>, vector<512x512xf32>
    %reduce_max3A = arith.constant dense<0xFF800000> : vector<512xf32>
    %reduce_max3A_289 = vector.multi_reduction <maximumf>, %select_n3A_288, %reduce_max3A [1] : vector<512x512xf32> to vector<512xf32>
    %broadcast_in_dim3A_290 = vector.shape_cast %reduce_max3A_289 : vector<512xf32> to vector<512x1xf32>
    %sub3A_291 = vector.broadcast %broadcast_in_dim3A_290 : vector<512x1xf32> to vector<512x512xf32>
    %sub3A_292 = arith.subf %select_n3A_288, %sub3A_291 : vector<512x512xf32>
    %exp3A = math.exp %sub3A_292 : vector<512x512xf32>
    %reduce_sum3A_293 = arith.constant dense<0.000000e+00> : vector<512xf32>
    %reduce_sum3A_294 = vector.multi_reduction <add>, %exp3A, %reduce_sum3A_293 [1] : vector<512x512xf32> to vector<512xf32>
    %broadcast_in_dim3A_295 = vector.shape_cast %reduce_sum3A_294 : vector<512xf32> to vector<512x1xf32>
    %div3A = vector.broadcast %broadcast_in_dim3A_295 : vector<512x1xf32> to vector<512x512xf32>
    %div3A_296 = arith.divf %exp3A, %div3A : vector<512x512xf32>
    %dot_general3A_297 = arith.constant dense<0.000000e+00> : vector<512x64xf32>
    %dot_general3A_298 = tpu.matmul %div3A_296, %slice3A_278, %dot_general3A_297 {dimension_numbers = #tpu.dot_dimension_numbers<[1], [0], [0], [1], [0, 0, 1, 1], [], []>, precision = #tpu.contract_precision<fp32>, transpose_lhs_hint = false} : vector<512x512xf32>, vector<512x64xf32>, vector<512x64xf32> -> vector<512x64xf32>
    %convert_element_type3A_299 = arith.truncf %dot_general3A_298 : vector<512x64xf32> to vector<512x64xbf16>
    %convert_element_type3A_300 = arith.extf %convert_element_type3A_299 : vector<512x64xbf16> to vector<512x64xf32>
    %sub3A_301 = arith.subf %dot_general3A_298, %convert_element_type3A_300 : vector<512x64xf32>
    %convert_element_type3A_302 = arith.truncf %sub3A_301 : vector<512x64xf32> to vector<512x64xbf16>
    %dot_general3A_303 = arith.constant dense<0.000000e+00> : vector<2048x64xf32>
    %dot_general3A_304 = tpu.matmul %convert_element_type3A_267, %convert_element_type3A_299, %dot_general3A_303 {dimension_numbers = #tpu.dot_dimension_numbers<[0], [0], [1], [1], [0, 1, 1, 1], [], []>, transpose_lhs_hint = false} : vector<512x2048xbf16>, vector<512x64xbf16>, vector<2048x64xf32> -> vector<2048x64xf32>
    %dot_general3A_305 = arith.constant dense<0.000000e+00> : vector<2048x64xf32>
    %dot_general3A_306 = tpu.matmul %convert_element_type3A_267, %convert_element_type3A_302, %dot_general3A_305 {dimension_numbers = #tpu.dot_dimension_numbers<[0], [0], [1], [1], [0, 1, 1, 1], [], []>, transpose_lhs_hint = false} : vector<512x2048xbf16>, vector<512x64xbf16>, vector<2048x64xf32> -> vector<2048x64xf32>
    %add3A_307 = arith.addf %dot_general3A_304, %dot_general3A_306 : vector<2048x64xf32>
    %swap3A = arith.constant 0 : index
    %swap3A_308 = arith.constant 0 : index
    %swap3A_309 = vector.load %arg5[%swap3A, %swap3A_308] : memref<2048x128xf32, #tpu.memory_space<vmem>>, vector<2048x64xf32>
    tpu.vector_store %arg5[%swap3A, %swap3A_308], %add3A_307 {strides = array<i32>} : memref<2048x128xf32, #tpu.memory_space<vmem>>, vector<2048x64xf32>,
    %get3A_310 = arith.constant 0 : index
    %get3A_311 = arith.constant 64 : index
    %get3A_312 = vector.load %arg2[%get3A_310, %get3A_311] : memref<2048x128xf32, #tpu.memory_space<vmem>>, vector<2048x64xf32>
    %get3A_313 = arith.constant 0 : index
    %get3A_314 = arith.constant 64 : index
    %get3A_315 = vector.load %arg3[%get3A_313, %get3A_314] : memref<2048x128xf32, #tpu.memory_space<vmem>>, vector<2048x64xf32>
    %get3A_316 = arith.constant 0 : index
    %get3A_317 = arith.constant 64 : index
    %get3A_318 = vector.load %arg4[%get3A_316, %get3A_317] : memref<2048x128xf32, #tpu.memory_space<vmem>>, vector<2048x64xf32>
    %concatenate3A_319 = tpu.concatenate %get3A_312, %get3A_315, %get3A_318 in 1 : vector<2048x64xf32>, vector<2048x64xf32>, vector<2048x64xf32> -> vector<2048x192xf32>
    %get3A_320 = arith.constant 1 : index
    %get3A_321 = arith.constant 0 : index
    %get3A_322 = arith.constant 0 : index
    %get3A_323 = vector.load %arg1[%get3A_320, %get3A_321, %get3A_322] : memref<2x1x2048xf32, #tpu.memory_space<vmem>>, vector<1x1x2048xf32>
    %get3A_324 = vector.shape_cast %get3A_323 : vector<1x1x2048xf32> to vector<1x2048xf32>
    %bitcast_convert_type3A_325 = tpu.bitcast %get3A_324 : vector<1x2048xf32> -> vector<1x2048xi32>
    %ge3A_326 = arith.constant 0 : i32
    %ge3A_327 = vector.broadcast %ge3A_326 : i32 to vector<1x2048xi32>
    %ge3A_328 = arith.cmpi sge, %bitcast_convert_type3A_325, %ge3A_327 : vector<1x2048xi32>
    %xor3A_329 = arith.constant 2147483647 : i32
    %xor3A_330 = vector.broadcast %xor3A_329 : i32 to vector<1x2048xi32>
    %xor3A_331 = arith.xori %bitcast_convert_type3A_325, %xor3A_330 : vector<1x2048xi32>
    %select_n3A_332 = arith.select %ge3A_328, %bitcast_convert_type3A_325, %xor3A_331 : vector<1x2048xi1>, vector<1x2048xi32>
    %scan3A_333 = arith.constant 0 : i32
    %scan3A_334 = arith.constant 0 : i32
    %scan3A_335 = arith.constant 32 : i32
    %scan3A_336 = arith.addi %scan3A_334, %scan3A_335 : i32
    %scan3A_337 = arith.constant 1 : i32
    %scan3A_338 = scf.for %scan3A_646 = %scan3A_334 to %scan3A_336 step %scan3A_337 iter_args(%scan3A_647 = %scan3A_333) -> (i32)  : i32 {
      %sub3A_648 = arith.constant 31 : i32
      %sub3A_649 = arith.subi %sub3A_648, %scan3A_646 : i32
      %shift_left3A = arith.constant 1 : i32
      %shift_left3A_650 = arith.shli %shift_left3A, %sub3A_649 : i32
      %or3A_651 = arith.ori %scan3A_647, %shift_left3A_650 : i32
      %xor3A_652 = arith.constant -2147483648 : i32
      %xor3A_653 = arith.xori %or3A_651, %xor3A_652 : i32
      %ge3A_654 = vector.broadcast %xor3A_653 : i32 to vector<1x2048xi32>
      %ge3A_655 = arith.cmpi sge, %select_n3A_332, %ge3A_654 : vector<1x2048xi32>
      %convert_element_type3A_656 = arith.extui %ge3A_655 : vector<1x2048xi1> to vector<1x2048xi32>
      %reduce_sum3A_657 = vector.shape_cast %convert_element_type3A_656 : vector<1x2048xi32> to vector<1x1x2048xi32>
      %reduce_sum3A_658 = arith.constant dense<0> : vector<1xi32>
      %reduce_sum3A_659 = vector.multi_reduction <add>, %reduce_sum3A_657, %reduce_sum3A_658 [1, 2] : vector<1x1x2048xi32> to vector<1xi32>
      %reduce_sum3A_660 = vector.shape_cast %reduce_sum3A_659 : vector<1xi32> to vector<1x1x1xi32>
      %reduce_sum3A_661 = vector.extract %reduce_sum3A_660[0, 0, 0] : i32 from vector<1x1x1xi32>
      %ge3A_662 = arith.constant 512 : i32
      %ge3A_663 = arith.cmpi sge, %reduce_sum3A_661, %ge3A_662 : i32
      %select_n3A_664 = arith.select %ge3A_663, %or3A_651, %scan3A_647 : i32
      scf.yield %select_n3A_664 : i32
    }
    %scan3A_339 = arith.constant 32 : i32
    %xor3A_340 = arith.constant -2147483648 : i32
    %xor3A_341 = arith.xori %scan3A_338, %xor3A_340 : i32
    %gt3A_342 = vector.broadcast %xor3A_341 : i32 to vector<1x2048xi32>
    %gt3A_343 = arith.cmpi sgt, %select_n3A_332, %gt3A_342 : vector<1x2048xi32>
    %eq3A_344 = vector.broadcast %xor3A_341 : i32 to vector<1x2048xi32>
    %eq3A_345 = arith.cmpi eq, %select_n3A_332, %eq3A_344 : vector<1x2048xi32>
    %convert_element_type3A_346 = arith.extui %gt3A_343 : vector<1x2048xi1> to vector<1x2048xi32>
    %reduce_sum3A_347 = vector.shape_cast %convert_element_type3A_346 : vector<1x2048xi32> to vector<1x1x2048xi32>
    %reduce_sum3A_348 = arith.constant dense<0> : vector<1xi32>
    %reduce_sum3A_349 = vector.multi_reduction <add>, %reduce_sum3A_347, %reduce_sum3A_348 [1, 2] : vector<1x1x2048xi32> to vector<1xi32>
    %reduce_sum3A_350 = vector.shape_cast %reduce_sum3A_349 : vector<1xi32> to vector<1x1x1xi32>
    %reduce_sum3A_351 = vector.extract %reduce_sum3A_350[0, 0, 0] : i32 from vector<1x1x1xi32>
    %sub3A_352 = arith.constant 512 : i32
    %sub3A_353 = arith.subi %sub3A_352, %reduce_sum3A_351 : i32
    %convert_element_type3A_354 = arith.sitofp %sub3A_353 : i32 to f32
    %convert_element_type3A_355 = arith.extui %eq3A_345 : vector<1x2048xi1> to vector<1x2048xi32>
    %convert_element_type3A_356 = arith.sitofp %convert_element_type3A_355 : vector<1x2048xi32> to vector<1x2048xf32>
    %iota3A_357 = tpu.iota {dimensions = array<i32: 1>} : vector<1x2048xi32>
    %ge3A_358 = arith.constant 1 : i32
    %ge3A_359 = vector.broadcast %ge3A_358 : i32 to vector<1x2048xi32>
    %ge3A_360 = arith.cmpi sge, %iota3A_357, %ge3A_359 : vector<1x2048xi32>
    %slice3A_361 = vector.extract_strided_slice %convert_element_type3A_356 {offsets = [0, 2047], sizes = [1, 1], strides = [1, 1]} : vector<1x2048xf32> to vector<1x1xf32>
    %slice3A_362 = vector.extract_strided_slice %convert_element_type3A_356 {offsets = [0, 0], sizes = [1, 2047], strides = [1, 1]} : vector<1x2048xf32> to vector<1x2047xf32>
    %concatenate3A_363 = tpu.concatenate %slice3A_361, %slice3A_362 in 1 : vector<1x1xf32>, vector<1x2047xf32> -> vector<1x2048xf32>
    %jit3A_364 = arith.constant 0.000000e+00 : f32
    %broadcast_in_dim3A_365 = vector.broadcast %jit3A_364 : f32 to vector<1x2048xf32>
    %select_n3A_366 = arith.select %ge3A_360, %concatenate3A_363, %broadcast_in_dim3A_365 : vector<1x2048xi1>, vector<1x2048xf32>
    %add3A_367 = arith.addf %convert_element_type3A_356, %select_n3A_366 : vector<1x2048xf32>
    %ge3A_368 = arith.constant 2 : i32
    %ge3A_369 = vector.broadcast %ge3A_368 : i32 to vector<1x2048xi32>
    %ge3A_370 = arith.cmpi sge, %iota3A_357, %ge3A_369 : vector<1x2048xi32>
    %slice3A_371 = vector.extract_strided_slice %add3A_367 {offsets = [0, 2046], sizes = [1, 2], strides = [1, 1]} : vector<1x2048xf32> to vector<1x2xf32>
    %slice3A_372 = vector.extract_strided_slice %add3A_367 {offsets = [0, 0], sizes = [1, 2046], strides = [1, 1]} : vector<1x2048xf32> to vector<1x2046xf32>
    %concatenate3A_373 = tpu.concatenate %slice3A_371, %slice3A_372 in 1 : vector<1x2xf32>, vector<1x2046xf32> -> vector<1x2048xf32>
    %jit3A_374 = arith.constant 0.000000e+00 : f32
    %broadcast_in_dim3A_375 = vector.broadcast %jit3A_374 : f32 to vector<1x2048xf32>
    %select_n3A_376 = arith.select %ge3A_370, %concatenate3A_373, %broadcast_in_dim3A_375 : vector<1x2048xi1>, vector<1x2048xf32>
    %add3A_377 = arith.addf %add3A_367, %select_n3A_376 : vector<1x2048xf32>
    %ge3A_378 = arith.constant 4 : i32
    %ge3A_379 = vector.broadcast %ge3A_378 : i32 to vector<1x2048xi32>
    %ge3A_380 = arith.cmpi sge, %iota3A_357, %ge3A_379 : vector<1x2048xi32>
    %slice3A_381 = vector.extract_strided_slice %add3A_377 {offsets = [0, 2044], sizes = [1, 4], strides = [1, 1]} : vector<1x2048xf32> to vector<1x4xf32>
    %slice3A_382 = vector.extract_strided_slice %add3A_377 {offsets = [0, 0], sizes = [1, 2044], strides = [1, 1]} : vector<1x2048xf32> to vector<1x2044xf32>
    %concatenate3A_383 = tpu.concatenate %slice3A_381, %slice3A_382 in 1 : vector<1x4xf32>, vector<1x2044xf32> -> vector<1x2048xf32>
    %jit3A_384 = arith.constant 0.000000e+00 : f32
    %broadcast_in_dim3A_385 = vector.broadcast %jit3A_384 : f32 to vector<1x2048xf32>
    %select_n3A_386 = arith.select %ge3A_380, %concatenate3A_383, %broadcast_in_dim3A_385 : vector<1x2048xi1>, vector<1x2048xf32>
    %add3A_387 = arith.addf %add3A_377, %select_n3A_386 : vector<1x2048xf32>
    %ge3A_388 = arith.constant 8 : i32
    %ge3A_389 = vector.broadcast %ge3A_388 : i32 to vector<1x2048xi32>
    %ge3A_390 = arith.cmpi sge, %iota3A_357, %ge3A_389 : vector<1x2048xi32>
    %slice3A_391 = vector.extract_strided_slice %add3A_387 {offsets = [0, 2040], sizes = [1, 8], strides = [1, 1]} : vector<1x2048xf32> to vector<1x8xf32>
    %slice3A_392 = vector.extract_strided_slice %add3A_387 {offsets = [0, 0], sizes = [1, 2040], strides = [1, 1]} : vector<1x2048xf32> to vector<1x2040xf32>
    %concatenate3A_393 = tpu.concatenate %slice3A_391, %slice3A_392 in 1 : vector<1x8xf32>, vector<1x2040xf32> -> vector<1x2048xf32>
    %jit3A_394 = arith.constant 0.000000e+00 : f32
    %broadcast_in_dim3A_395 = vector.broadcast %jit3A_394 : f32 to vector<1x2048xf32>
    %select_n3A_396 = arith.select %ge3A_390, %concatenate3A_393, %broadcast_in_dim3A_395 : vector<1x2048xi1>, vector<1x2048xf32>
    %add3A_397 = arith.addf %add3A_387, %select_n3A_396 : vector<1x2048xf32>
    %ge3A_398 = arith.constant 16 : i32
    %ge3A_399 = vector.broadcast %ge3A_398 : i32 to vector<1x2048xi32>
    %ge3A_400 = arith.cmpi sge, %iota3A_357, %ge3A_399 : vector<1x2048xi32>
    %slice3A_401 = vector.extract_strided_slice %add3A_397 {offsets = [0, 2032], sizes = [1, 16], strides = [1, 1]} : vector<1x2048xf32> to vector<1x16xf32>
    %slice3A_402 = vector.extract_strided_slice %add3A_397 {offsets = [0, 0], sizes = [1, 2032], strides = [1, 1]} : vector<1x2048xf32> to vector<1x2032xf32>
    %concatenate3A_403 = tpu.concatenate %slice3A_401, %slice3A_402 in 1 : vector<1x16xf32>, vector<1x2032xf32> -> vector<1x2048xf32>
    %jit3A_404 = arith.constant 0.000000e+00 : f32
    %broadcast_in_dim3A_405 = vector.broadcast %jit3A_404 : f32 to vector<1x2048xf32>
    %select_n3A_406 = arith.select %ge3A_400, %concatenate3A_403, %broadcast_in_dim3A_405 : vector<1x2048xi1>, vector<1x2048xf32>
    %add3A_407 = arith.addf %add3A_397, %select_n3A_406 : vector<1x2048xf32>
    %ge3A_408 = arith.constant 32 : i32
    %ge3A_409 = vector.broadcast %ge3A_408 : i32 to vector<1x2048xi32>
    %ge3A_410 = arith.cmpi sge, %iota3A_357, %ge3A_409 : vector<1x2048xi32>
    %slice3A_411 = vector.extract_strided_slice %add3A_407 {offsets = [0, 2016], sizes = [1, 32], strides = [1, 1]} : vector<1x2048xf32> to vector<1x32xf32>
    %slice3A_412 = vector.extract_strided_slice %add3A_407 {offsets = [0, 0], sizes = [1, 2016], strides = [1, 1]} : vector<1x2048xf32> to vector<1x2016xf32>
    %concatenate3A_413 = tpu.concatenate %slice3A_411, %slice3A_412 in 1 : vector<1x32xf32>, vector<1x2016xf32> -> vector<1x2048xf32>
    %jit3A_414 = arith.constant 0.000000e+00 : f32
    %broadcast_in_dim3A_415 = vector.broadcast %jit3A_414 : f32 to vector<1x2048xf32>
    %select_n3A_416 = arith.select %ge3A_410, %concatenate3A_413, %broadcast_in_dim3A_415 : vector<1x2048xi1>, vector<1x2048xf32>
    %add3A_417 = arith.addf %add3A_407, %select_n3A_416 : vector<1x2048xf32>
    %ge3A_418 = arith.constant 64 : i32
    %ge3A_419 = vector.broadcast %ge3A_418 : i32 to vector<1x2048xi32>
    %ge3A_420 = arith.cmpi sge, %iota3A_357, %ge3A_419 : vector<1x2048xi32>
    %slice3A_421 = vector.extract_strided_slice %add3A_417 {offsets = [0, 1984], sizes = [1, 64], strides = [1, 1]} : vector<1x2048xf32> to vector<1x64xf32>
    %slice3A_422 = vector.extract_strided_slice %add3A_417 {offsets = [0, 0], sizes = [1, 1984], strides = [1, 1]} : vector<1x2048xf32> to vector<1x1984xf32>
    %concatenate3A_423 = tpu.concatenate %slice3A_421, %slice3A_422 in 1 : vector<1x64xf32>, vector<1x1984xf32> -> vector<1x2048xf32>
    %jit3A_424 = arith.constant 0.000000e+00 : f32
    %broadcast_in_dim3A_425 = vector.broadcast %jit3A_424 : f32 to vector<1x2048xf32>
    %select_n3A_426 = arith.select %ge3A_420, %concatenate3A_423, %broadcast_in_dim3A_425 : vector<1x2048xi1>, vector<1x2048xf32>
    %add3A_427 = arith.addf %add3A_417, %select_n3A_426 : vector<1x2048xf32>
    %ge3A_428 = arith.constant 128 : i32
    %ge3A_429 = vector.broadcast %ge3A_428 : i32 to vector<1x2048xi32>
    %ge3A_430 = arith.cmpi sge, %iota3A_357, %ge3A_429 : vector<1x2048xi32>
    %slice3A_431 = vector.extract_strided_slice %add3A_427 {offsets = [0, 1920], sizes = [1, 128], strides = [1, 1]} : vector<1x2048xf32> to vector<1x128xf32>
    %slice3A_432 = vector.extract_strided_slice %add3A_427 {offsets = [0, 0], sizes = [1, 1920], strides = [1, 1]} : vector<1x2048xf32> to vector<1x1920xf32>
    %concatenate3A_433 = tpu.concatenate %slice3A_431, %slice3A_432 in 1 : vector<1x128xf32>, vector<1x1920xf32> -> vector<1x2048xf32>
    %jit3A_434 = arith.constant 0.000000e+00 : f32
    %broadcast_in_dim3A_435 = vector.broadcast %jit3A_434 : f32 to vector<1x2048xf32>
    %select_n3A_436 = arith.select %ge3A_430, %concatenate3A_433, %broadcast_in_dim3A_435 : vector<1x2048xi1>, vector<1x2048xf32>
    %add3A_437 = arith.addf %add3A_427, %select_n3A_436 : vector<1x2048xf32>
    %ge3A_438 = arith.constant 256 : i32
    %ge3A_439 = vector.broadcast %ge3A_438 : i32 to vector<1x2048xi32>
    %ge3A_440 = arith.cmpi sge, %iota3A_357, %ge3A_439 : vector<1x2048xi32>
    %slice3A_441 = vector.extract_strided_slice %add3A_437 {offsets = [0, 1792], sizes = [1, 256], strides = [1, 1]} : vector<1x2048xf32> to vector<1x256xf32>
    %slice3A_442 = vector.extract_strided_slice %add3A_437 {offsets = [0, 0], sizes = [1, 1792], strides = [1, 1]} : vector<1x2048xf32> to vector<1x1792xf32>
    %concatenate3A_443 = tpu.concatenate %slice3A_441, %slice3A_442 in 1 : vector<1x256xf32>, vector<1x1792xf32> -> vector<1x2048xf32>
    %jit3A_444 = arith.constant 0.000000e+00 : f32
    %broadcast_in_dim3A_445 = vector.broadcast %jit3A_444 : f32 to vector<1x2048xf32>
    %select_n3A_446 = arith.select %ge3A_440, %concatenate3A_443, %broadcast_in_dim3A_445 : vector<1x2048xi1>, vector<1x2048xf32>
    %add3A_447 = arith.addf %add3A_437, %select_n3A_446 : vector<1x2048xf32>
    %ge3A_448 = arith.constant 512 : i32
    %ge3A_449 = vector.broadcast %ge3A_448 : i32 to vector<1x2048xi32>
    %ge3A_450 = arith.cmpi sge, %iota3A_357, %ge3A_449 : vector<1x2048xi32>
    %slice3A_451 = vector.extract_strided_slice %add3A_447 {offsets = [0, 1536], sizes = [1, 512], strides = [1, 1]} : vector<1x2048xf32> to vector<1x512xf32>
    %slice3A_452 = vector.extract_strided_slice %add3A_447 {offsets = [0, 0], sizes = [1, 1536], strides = [1, 1]} : vector<1x2048xf32> to vector<1x1536xf32>
    %concatenate3A_453 = tpu.concatenate %slice3A_451, %slice3A_452 in 1 : vector<1x512xf32>, vector<1x1536xf32> -> vector<1x2048xf32>
    %jit3A_454 = arith.constant 0.000000e+00 : f32
    %broadcast_in_dim3A_455 = vector.broadcast %jit3A_454 : f32 to vector<1x2048xf32>
    %select_n3A_456 = arith.select %ge3A_450, %concatenate3A_453, %broadcast_in_dim3A_455 : vector<1x2048xi1>, vector<1x2048xf32>
    %add3A_457 = arith.addf %add3A_447, %select_n3A_456 : vector<1x2048xf32>
    %ge3A_458 = arith.constant 1024 : i32
    %ge3A_459 = vector.broadcast %ge3A_458 : i32 to vector<1x2048xi32>
    %ge3A_460 = arith.cmpi sge, %iota3A_357, %ge3A_459 : vector<1x2048xi32>
    %slice3A_461 = vector.extract_strided_slice %add3A_457 {offsets = [0, 1024], sizes = [1, 1024], strides = [1, 1]} : vector<1x2048xf32> to vector<1x1024xf32>
    %slice3A_462 = vector.extract_strided_slice %add3A_457 {offsets = [0, 0], sizes = [1, 1024], strides = [1, 1]} : vector<1x2048xf32> to vector<1x1024xf32>
    %concatenate3A_463 = tpu.concatenate %slice3A_461, %slice3A_462 in 1 : vector<1x1024xf32>, vector<1x1024xf32> -> vector<1x2048xf32>
    %jit3A_464 = arith.constant 0.000000e+00 : f32
    %broadcast_in_dim3A_465 = vector.broadcast %jit3A_464 : f32 to vector<1x2048xf32>
    %select_n3A_466 = arith.select %ge3A_460, %concatenate3A_463, %broadcast_in_dim3A_465 : vector<1x2048xi1>, vector<1x2048xf32>
    %add3A_467 = arith.addf %add3A_457, %select_n3A_466 : vector<1x2048xf32>
    %le3A_468 = vector.broadcast %convert_element_type3A_354 : f32 to vector<1x2048xf32>
    %le3A_469 = arith.cmpf ole, %add3A_467, %le3A_468 : vector<1x2048xf32>
    %and3A_470 = arith.andi %eq3A_345, %le3A_469 : vector<1x2048xi1>
    %or3A_471 = arith.ori %gt3A_343, %and3A_470 : vector<1x2048xi1>
    %convert_element_type3A_472 = arith.extui %or3A_471 : vector<1x2048xi1> to vector<1x2048xi32>
    %convert_element_type3A_473 = arith.sitofp %convert_element_type3A_472 : vector<1x2048xi32> to vector<1x2048xf32>
    %iota3A_474 = tpu.iota {dimensions = array<i32: 1>} : vector<1x2048xi32>
    %ge3A_475 = arith.constant 1 : i32
    %ge3A_476 = vector.broadcast %ge3A_475 : i32 to vector<1x2048xi32>
    %ge3A_477 = arith.cmpi sge, %iota3A_474, %ge3A_476 : vector<1x2048xi32>
    %slice3A_478 = vector.extract_strided_slice %convert_element_type3A_473 {offsets = [0, 2047], sizes = [1, 1], strides = [1, 1]} : vector<1x2048xf32> to vector<1x1xf32>
    %slice3A_479 = vector.extract_strided_slice %convert_element_type3A_473 {offsets = [0, 0], sizes = [1, 2047], strides = [1, 1]} : vector<1x2048xf32> to vector<1x2047xf32>
    %concatenate3A_480 = tpu.concatenate %slice3A_478, %slice3A_479 in 1 : vector<1x1xf32>, vector<1x2047xf32> -> vector<1x2048xf32>
    %jit3A_481 = arith.constant 0.000000e+00 : f32
    %broadcast_in_dim3A_482 = vector.broadcast %jit3A_481 : f32 to vector<1x2048xf32>
    %select_n3A_483 = arith.select %ge3A_477, %concatenate3A_480, %broadcast_in_dim3A_482 : vector<1x2048xi1>, vector<1x2048xf32>
    %add3A_484 = arith.addf %convert_element_type3A_473, %select_n3A_483 : vector<1x2048xf32>
    %ge3A_485 = arith.constant 2 : i32
    %ge3A_486 = vector.broadcast %ge3A_485 : i32 to vector<1x2048xi32>
    %ge3A_487 = arith.cmpi sge, %iota3A_474, %ge3A_486 : vector<1x2048xi32>
    %slice3A_488 = vector.extract_strided_slice %add3A_484 {offsets = [0, 2046], sizes = [1, 2], strides = [1, 1]} : vector<1x2048xf32> to vector<1x2xf32>
    %slice3A_489 = vector.extract_strided_slice %add3A_484 {offsets = [0, 0], sizes = [1, 2046], strides = [1, 1]} : vector<1x2048xf32> to vector<1x2046xf32>
    %concatenate3A_490 = tpu.concatenate %slice3A_488, %slice3A_489 in 1 : vector<1x2xf32>, vector<1x2046xf32> -> vector<1x2048xf32>
    %jit3A_491 = arith.constant 0.000000e+00 : f32
    %broadcast_in_dim3A_492 = vector.broadcast %jit3A_491 : f32 to vector<1x2048xf32>
    %select_n3A_493 = arith.select %ge3A_487, %concatenate3A_490, %broadcast_in_dim3A_492 : vector<1x2048xi1>, vector<1x2048xf32>
    %add3A_494 = arith.addf %add3A_484, %select_n3A_493 : vector<1x2048xf32>
    %ge3A_495 = arith.constant 4 : i32
    %ge3A_496 = vector.broadcast %ge3A_495 : i32 to vector<1x2048xi32>
    %ge3A_497 = arith.cmpi sge, %iota3A_474, %ge3A_496 : vector<1x2048xi32>
    %slice3A_498 = vector.extract_strided_slice %add3A_494 {offsets = [0, 2044], sizes = [1, 4], strides = [1, 1]} : vector<1x2048xf32> to vector<1x4xf32>
    %slice3A_499 = vector.extract_strided_slice %add3A_494 {offsets = [0, 0], sizes = [1, 2044], strides = [1, 1]} : vector<1x2048xf32> to vector<1x2044xf32>
    %concatenate3A_500 = tpu.concatenate %slice3A_498, %slice3A_499 in 1 : vector<1x4xf32>, vector<1x2044xf32> -> vector<1x2048xf32>
    %jit3A_501 = arith.constant 0.000000e+00 : f32
    %broadcast_in_dim3A_502 = vector.broadcast %jit3A_501 : f32 to vector<1x2048xf32>
    %select_n3A_503 = arith.select %ge3A_497, %concatenate3A_500, %broadcast_in_dim3A_502 : vector<1x2048xi1>, vector<1x2048xf32>
    %add3A_504 = arith.addf %add3A_494, %select_n3A_503 : vector<1x2048xf32>
    %ge3A_505 = arith.constant 8 : i32
    %ge3A_506 = vector.broadcast %ge3A_505 : i32 to vector<1x2048xi32>
    %ge3A_507 = arith.cmpi sge, %iota3A_474, %ge3A_506 : vector<1x2048xi32>
    %slice3A_508 = vector.extract_strided_slice %add3A_504 {offsets = [0, 2040], sizes = [1, 8], strides = [1, 1]} : vector<1x2048xf32> to vector<1x8xf32>
    %slice3A_509 = vector.extract_strided_slice %add3A_504 {offsets = [0, 0], sizes = [1, 2040], strides = [1, 1]} : vector<1x2048xf32> to vector<1x2040xf32>
    %concatenate3A_510 = tpu.concatenate %slice3A_508, %slice3A_509 in 1 : vector<1x8xf32>, vector<1x2040xf32> -> vector<1x2048xf32>
    %jit3A_511 = arith.constant 0.000000e+00 : f32
    %broadcast_in_dim3A_512 = vector.broadcast %jit3A_511 : f32 to vector<1x2048xf32>
    %select_n3A_513 = arith.select %ge3A_507, %concatenate3A_510, %broadcast_in_dim3A_512 : vector<1x2048xi1>, vector<1x2048xf32>
    %add3A_514 = arith.addf %add3A_504, %select_n3A_513 : vector<1x2048xf32>
    %ge3A_515 = arith.constant 16 : i32
    %ge3A_516 = vector.broadcast %ge3A_515 : i32 to vector<1x2048xi32>
    %ge3A_517 = arith.cmpi sge, %iota3A_474, %ge3A_516 : vector<1x2048xi32>
    %slice3A_518 = vector.extract_strided_slice %add3A_514 {offsets = [0, 2032], sizes = [1, 16], strides = [1, 1]} : vector<1x2048xf32> to vector<1x16xf32>
    %slice3A_519 = vector.extract_strided_slice %add3A_514 {offsets = [0, 0], sizes = [1, 2032], strides = [1, 1]} : vector<1x2048xf32> to vector<1x2032xf32>
    %concatenate3A_520 = tpu.concatenate %slice3A_518, %slice3A_519 in 1 : vector<1x16xf32>, vector<1x2032xf32> -> vector<1x2048xf32>
    %jit3A_521 = arith.constant 0.000000e+00 : f32
    %broadcast_in_dim3A_522 = vector.broadcast %jit3A_521 : f32 to vector<1x2048xf32>
    %select_n3A_523 = arith.select %ge3A_517, %concatenate3A_520, %broadcast_in_dim3A_522 : vector<1x2048xi1>, vector<1x2048xf32>
    %add3A_524 = arith.addf %add3A_514, %select_n3A_523 : vector<1x2048xf32>
    %ge3A_525 = arith.constant 32 : i32
    %ge3A_526 = vector.broadcast %ge3A_525 : i32 to vector<1x2048xi32>
    %ge3A_527 = arith.cmpi sge, %iota3A_474, %ge3A_526 : vector<1x2048xi32>
    %slice3A_528 = vector.extract_strided_slice %add3A_524 {offsets = [0, 2016], sizes = [1, 32], strides = [1, 1]} : vector<1x2048xf32> to vector<1x32xf32>
    %slice3A_529 = vector.extract_strided_slice %add3A_524 {offsets = [0, 0], sizes = [1, 2016], strides = [1, 1]} : vector<1x2048xf32> to vector<1x2016xf32>
    %concatenate3A_530 = tpu.concatenate %slice3A_528, %slice3A_529 in 1 : vector<1x32xf32>, vector<1x2016xf32> -> vector<1x2048xf32>
    %jit3A_531 = arith.constant 0.000000e+00 : f32
    %broadcast_in_dim3A_532 = vector.broadcast %jit3A_531 : f32 to vector<1x2048xf32>
    %select_n3A_533 = arith.select %ge3A_527, %concatenate3A_530, %broadcast_in_dim3A_532 : vector<1x2048xi1>, vector<1x2048xf32>
    %add3A_534 = arith.addf %add3A_524, %select_n3A_533 : vector<1x2048xf32>
    %ge3A_535 = arith.constant 64 : i32
    %ge3A_536 = vector.broadcast %ge3A_535 : i32 to vector<1x2048xi32>
    %ge3A_537 = arith.cmpi sge, %iota3A_474, %ge3A_536 : vector<1x2048xi32>
    %slice3A_538 = vector.extract_strided_slice %add3A_534 {offsets = [0, 1984], sizes = [1, 64], strides = [1, 1]} : vector<1x2048xf32> to vector<1x64xf32>
    %slice3A_539 = vector.extract_strided_slice %add3A_534 {offsets = [0, 0], sizes = [1, 1984], strides = [1, 1]} : vector<1x2048xf32> to vector<1x1984xf32>
    %concatenate3A_540 = tpu.concatenate %slice3A_538, %slice3A_539 in 1 : vector<1x64xf32>, vector<1x1984xf32> -> vector<1x2048xf32>
    %jit3A_541 = arith.constant 0.000000e+00 : f32
    %broadcast_in_dim3A_542 = vector.broadcast %jit3A_541 : f32 to vector<1x2048xf32>
    %select_n3A_543 = arith.select %ge3A_537, %concatenate3A_540, %broadcast_in_dim3A_542 : vector<1x2048xi1>, vector<1x2048xf32>
    %add3A_544 = arith.addf %add3A_534, %select_n3A_543 : vector<1x2048xf32>
    %ge3A_545 = arith.constant 128 : i32
    %ge3A_546 = vector.broadcast %ge3A_545 : i32 to vector<1x2048xi32>
    %ge3A_547 = arith.cmpi sge, %iota3A_474, %ge3A_546 : vector<1x2048xi32>
    %slice3A_548 = vector.extract_strided_slice %add3A_544 {offsets = [0, 1920], sizes = [1, 128], strides = [1, 1]} : vector<1x2048xf32> to vector<1x128xf32>
    %slice3A_549 = vector.extract_strided_slice %add3A_544 {offsets = [0, 0], sizes = [1, 1920], strides = [1, 1]} : vector<1x2048xf32> to vector<1x1920xf32>
    %concatenate3A_550 = tpu.concatenate %slice3A_548, %slice3A_549 in 1 : vector<1x128xf32>, vector<1x1920xf32> -> vector<1x2048xf32>
    %jit3A_551 = arith.constant 0.000000e+00 : f32
    %broadcast_in_dim3A_552 = vector.broadcast %jit3A_551 : f32 to vector<1x2048xf32>
    %select_n3A_553 = arith.select %ge3A_547, %concatenate3A_550, %broadcast_in_dim3A_552 : vector<1x2048xi1>, vector<1x2048xf32>
    %add3A_554 = arith.addf %add3A_544, %select_n3A_553 : vector<1x2048xf32>
    %ge3A_555 = arith.constant 256 : i32
    %ge3A_556 = vector.broadcast %ge3A_555 : i32 to vector<1x2048xi32>
    %ge3A_557 = arith.cmpi sge, %iota3A_474, %ge3A_556 : vector<1x2048xi32>
    %slice3A_558 = vector.extract_strided_slice %add3A_554 {offsets = [0, 1792], sizes = [1, 256], strides = [1, 1]} : vector<1x2048xf32> to vector<1x256xf32>
    %slice3A_559 = vector.extract_strided_slice %add3A_554 {offsets = [0, 0], sizes = [1, 1792], strides = [1, 1]} : vector<1x2048xf32> to vector<1x1792xf32>
    %concatenate3A_560 = tpu.concatenate %slice3A_558, %slice3A_559 in 1 : vector<1x256xf32>, vector<1x1792xf32> -> vector<1x2048xf32>
    %jit3A_561 = arith.constant 0.000000e+00 : f32
    %broadcast_in_dim3A_562 = vector.broadcast %jit3A_561 : f32 to vector<1x2048xf32>
    %select_n3A_563 = arith.select %ge3A_557, %concatenate3A_560, %broadcast_in_dim3A_562 : vector<1x2048xi1>, vector<1x2048xf32>
    %add3A_564 = arith.addf %add3A_554, %select_n3A_563 : vector<1x2048xf32>
    %ge3A_565 = arith.constant 512 : i32
    %ge3A_566 = vector.broadcast %ge3A_565 : i32 to vector<1x2048xi32>
    %ge3A_567 = arith.cmpi sge, %iota3A_474, %ge3A_566 : vector<1x2048xi32>
    %slice3A_568 = vector.extract_strided_slice %add3A_564 {offsets = [0, 1536], sizes = [1, 512], strides = [1, 1]} : vector<1x2048xf32> to vector<1x512xf32>
    %slice3A_569 = vector.extract_strided_slice %add3A_564 {offsets = [0, 0], sizes = [1, 1536], strides = [1, 1]} : vector<1x2048xf32> to vector<1x1536xf32>
    %concatenate3A_570 = tpu.concatenate %slice3A_568, %slice3A_569 in 1 : vector<1x512xf32>, vector<1x1536xf32> -> vector<1x2048xf32>
    %jit3A_571 = arith.constant 0.000000e+00 : f32
    %broadcast_in_dim3A_572 = vector.broadcast %jit3A_571 : f32 to vector<1x2048xf32>
    %select_n3A_573 = arith.select %ge3A_567, %concatenate3A_570, %broadcast_in_dim3A_572 : vector<1x2048xi1>, vector<1x2048xf32>
    %add3A_574 = arith.addf %add3A_564, %select_n3A_573 : vector<1x2048xf32>
    %ge3A_575 = arith.constant 1024 : i32
    %ge3A_576 = vector.broadcast %ge3A_575 : i32 to vector<1x2048xi32>
    %ge3A_577 = arith.cmpi sge, %iota3A_474, %ge3A_576 : vector<1x2048xi32>
    %slice3A_578 = vector.extract_strided_slice %add3A_574 {offsets = [0, 1024], sizes = [1, 1024], strides = [1, 1]} : vector<1x2048xf32> to vector<1x1024xf32>
    %slice3A_579 = vector.extract_strided_slice %add3A_574 {offsets = [0, 0], sizes = [1, 1024], strides = [1, 1]} : vector<1x2048xf32> to vector<1x1024xf32>
    %concatenate3A_580 = tpu.concatenate %slice3A_578, %slice3A_579 in 1 : vector<1x1024xf32>, vector<1x1024xf32> -> vector<1x2048xf32>
    %jit3A_581 = arith.constant 0.000000e+00 : f32
    %broadcast_in_dim3A_582 = vector.broadcast %jit3A_581 : f32 to vector<1x2048xf32>
    %select_n3A_583 = arith.select %ge3A_577, %concatenate3A_580, %broadcast_in_dim3A_582 : vector<1x2048xi1>, vector<1x2048xf32>
    %add3A_584 = arith.addf %add3A_574, %select_n3A_583 : vector<1x2048xf32>
    %sub3A_585 = arith.subf %add3A_584, %convert_element_type3A_473 : vector<1x2048xf32>
    %iota3A_586 = tpu.iota {dimensions = array<i32: 0>} : vector<512x2048xi32>
    %convert_element_type3A_587 = arith.fptosi %sub3A_585 : vector<1x2048xf32> to vector<1x2048xi32>
    %eq3A_588 = vector.broadcast %convert_element_type3A_587 : vector<1x2048xi32> to vector<512x2048xi32>
    %eq3A_589 = arith.cmpi eq, %iota3A_586, %eq3A_588 : vector<512x2048xi32>
    %and3A_590 = vector.broadcast %or3A_471 : vector<1x2048xi1> to vector<512x2048xi1>
    %and3A_591 = arith.andi %eq3A_589, %and3A_590 : vector<512x2048xi1>
    %jit3A_592 = arith.constant 1.000000e+00 : f32
    %jit3A_593 = arith.constant 0.000000e+00 : f32
    %broadcast_in_dim3A_594 = vector.broadcast %jit3A_592 : f32 to vector<512x2048xf32>
    %broadcast_in_dim3A_595 = vector.broadcast %jit3A_593 : f32 to vector<512x2048xf32>
    %select_n3A_596 = arith.select %and3A_591, %broadcast_in_dim3A_594, %broadcast_in_dim3A_595 : vector<512x2048xi1>, vector<512x2048xf32>
    %convert_element_type3A_597 = arith.truncf %select_n3A_596 : vector<512x2048xf32> to vector<512x2048xbf16>
    %convert_element_type3A_598 = arith.truncf %concatenate3A_319 : vector<2048x192xf32> to vector<2048x192xbf16>
    %convert_element_type3A_599 = arith.extf %convert_element_type3A_598 : vector<2048x192xbf16> to vector<2048x192xf32>
    %sub3A_600 = arith.subf %concatenate3A_319, %convert_element_type3A_599 : vector<2048x192xf32>
    %convert_element_type3A_601 = arith.truncf %sub3A_600 : vector<2048x192xf32> to vector<2048x192xbf16>
    %dot_general3A_602 = arith.constant dense<0.000000e+00> : vector<512x192xf32>
    %dot_general3A_603 = tpu.matmul %convert_element_type3A_597, %convert_element_type3A_598, %dot_general3A_602 {dimension_numbers = #tpu.dot_dimension_numbers<[1], [0], [0], [1], [0, 0, 1, 1], [], []>, transpose_lhs_hint = false} : vector<512x2048xbf16>, vector<2048x192xbf16>, vector<512x192xf32> -> vector<512x192xf32>
    %dot_general3A_604 = arith.constant dense<0.000000e+00> : vector<512x192xf32>
    %dot_general3A_605 = tpu.matmul %convert_element_type3A_597, %convert_element_type3A_601, %dot_general3A_604 {dimension_numbers = #tpu.dot_dimension_numbers<[1], [0], [0], [1], [0, 0, 1, 1], [], []>, transpose_lhs_hint = false} : vector<512x2048xbf16>, vector<2048x192xbf16>, vector<512x192xf32> -> vector<512x192xf32>
    %add3A_606 = arith.addf %dot_general3A_603, %dot_general3A_605 : vector<512x192xf32>
    %slice3A_607 = vector.extract_strided_slice %add3A_606 {offsets = [0, 0], sizes = [512, 64], strides = [1, 1]} : vector<512x192xf32> to vector<512x64xf32>
    %slice3A_608 = vector.extract_strided_slice %add3A_606 {offsets = [0, 64], sizes = [512, 64], strides = [1, 1]} : vector<512x192xf32> to vector<512x64xf32>
    %slice3A_609 = vector.extract_strided_slice %add3A_606 {offsets = [0, 128], sizes = [512, 64], strides = [1, 1]} : vector<512x192xf32> to vector<512x64xf32>
    %dot_general3A_610 = arith.constant dense<0.000000e+00> : vector<512x512xf32>
    %dot_general3A_611 = tpu.matmul %slice3A_607, %slice3A_608, %dot_general3A_610 {dimension_numbers = #tpu.dot_dimension_numbers<[1], [1], [0], [0], [0, 0, 1, 0], [], []>, precision = #tpu.contract_precision<fp32>, transpose_lhs_hint = false} : vector<512x64xf32>, vector<512x64xf32>, vector<512x512xf32> -> vector<512x512xf32>
    %mul3A_612 = arith.constant 1.250000e-01 : f32
    %mul3A_613 = vector.broadcast %mul3A_612 : f32 to vector<512x512xf32>
    %mul3A_614 = arith.mulf %dot_general3A_611, %mul3A_613 : vector<512x512xf32>
    %iota3A_615 = tpu.iota {dimensions = array<i32: 0>} : vector<512x512xi32>
    %iota3A_616 = tpu.iota {dimensions = array<i32: 1>} : vector<512x512xi32>
    %le3A_617 = arith.cmpi sle, %iota3A_616, %iota3A_615 : vector<512x512xi32>
    %jit3A_618 = arith.constant -1.000000e+30 : f32
    %broadcast_in_dim3A_619 = vector.broadcast %jit3A_618 : f32 to vector<512x512xf32>
    %select_n3A_620 = arith.select %le3A_617, %mul3A_614, %broadcast_in_dim3A_619 : vector<512x512xi1>, vector<512x512xf32>
    %reduce_max3A_621 = arith.constant dense<0xFF800000> : vector<512xf32>
    %reduce_max3A_622 = vector.multi_reduction <maximumf>, %select_n3A_620, %reduce_max3A_621 [1] : vector<512x512xf32> to vector<512xf32>
    %broadcast_in_dim3A_623 = vector.shape_cast %reduce_max3A_622 : vector<512xf32> to vector<512x1xf32>
    %sub3A_624 = vector.broadcast %broadcast_in_dim3A_623 : vector<512x1xf32> to vector<512x512xf32>
    %sub3A_625 = arith.subf %select_n3A_620, %sub3A_624 : vector<512x512xf32>
    %exp3A_626 = math.exp %sub3A_625 : vector<512x512xf32>
    %reduce_sum3A_627 = arith.constant dense<0.000000e+00> : vector<512xf32>
    %reduce_sum3A_628 = vector.multi_reduction <add>, %exp3A_626, %reduce_sum3A_627 [1] : vector<512x512xf32> to vector<512xf32>
    %broadcast_in_dim3A_629 = vector.shape_cast %reduce_sum3A_628 : vector<512xf32> to vector<512x1xf32>
    %div3A_630 = vector.broadcast %broadcast_in_dim3A_629 : vector<512x1xf32> to vector<512x512xf32>
    %div3A_631 = arith.divf %exp3A_626, %div3A_630 : vector<512x512xf32>
    %dot_general3A_632 = arith.constant dense<0.000000e+00> : vector<512x64xf32>
    %dot_general3A_633 = tpu.matmul %div3A_631, %slice3A_609, %dot_general3A_632 {dimension_numbers = #tpu.dot_dimension_numbers<[1], [0], [0], [1], [0, 0, 1, 1], [], []>, precision = #tpu.contract_precision<fp32>, transpose_lhs_hint = false} : vector<512x512xf32>, vector<512x64xf32>, vector<512x64xf32> -> vector<512x64xf32>
    %convert_element_type3A_634 = arith.truncf %dot_general3A_633 : vector<512x64xf32> to vector<512x64xbf16>
    %convert_element_type3A_635 = arith.extf %convert_element_type3A_634 : vector<512x64xbf16> to vector<512x64xf32>
    %sub3A_636 = arith.subf %dot_general3A_633, %convert_element_type3A_635 : vector<512x64xf32>
    %convert_element_type3A_637 = arith.truncf %sub3A_636 : vector<512x64xf32> to vector<512x64xbf16>
    %dot_general3A_638 = arith.constant dense<0.000000e+00> : vector<2048x64xf32>
    %dot_general3A_639 = tpu.matmul %convert_element_type3A_597, %convert_element_type3A_634, %dot_general3A_638 {dimension_numbers = #tpu.dot_dimension_numbers<[0], [0], [1], [1], [0, 1, 1, 1], [], []>, transpose_lhs_hint = false} : vector<512x2048xbf16>, vector<512x64xbf16>, vector<2048x64xf32> -> vector<2048x64xf32>
    %dot_general3A_640 = arith.constant dense<0.000000e+00> : vector<2048x64xf32>
    %dot_general3A_641 = tpu.matmul %convert_element_type3A_597, %convert_element_type3A_637, %dot_general3A_640 {dimension_numbers = #tpu.dot_dimension_numbers<[0], [0], [1], [1], [0, 1, 1, 1], [], []>, transpose_lhs_hint = false} : vector<512x2048xbf16>, vector<512x64xbf16>, vector<2048x64xf32> -> vector<2048x64xf32>
    %add3A_642 = arith.addf %dot_general3A_639, %dot_general3A_641 : vector<2048x64xf32>
    %swap3A_643 = arith.constant 0 : index
    %swap3A_644 = arith.constant 64 : index
    %swap3A_645 = vector.load %arg5[%swap3A_643, %swap3A_644] : memref<2048x128xf32, #tpu.memory_space<vmem>>, vector<2048x64xf32>
    tpu.vector_store %arg5[%swap3A_643, %swap3A_644], %add3A_642 {strides = array<i32>} : memref<2048x128xf32, #tpu.memory_space<vmem>>, vector<2048x64xf32>,
    return
  }
  func.func @transform_0(%arg0: i32) -> (i32, i32, i32) {
    %c0_i32 = arith.constant 0 : i32
    %c0_i32_0 = arith.constant 0 : i32
    %c0_i32_1 = arith.constant 0 : i32
    return %arg0, %c0_i32, %c0_i32_0 : i32, i32, i32
  }
  func.func @transform_1(%arg0: i32) -> (i32, i32) {
    %jit3A = arith.constant 2 : i32
    %div3A = arith.divsi %arg0, %jit3A : i32
    %sign3A = arith.constant 0 : i32
    %sign3A_0 = arith.cmpi sgt, %arg0, %sign3A : i32
    %sign3A_1 = arith.extui %sign3A_0 : i1 to i32
    %sign3A_2 = arith.constant 0 : i32
    %sign3A_3 = arith.cmpi slt, %arg0, %sign3A_2 : i32
    %sign3A_4 = arith.extui %sign3A_3 : i1 to i32
    %sign3A_5 = arith.subi %sign3A_1, %sign3A_4 : i32
    %sign3A_6 = arith.constant 0 : i32
    %sign3A_7 = arith.cmpi sgt, %jit3A, %sign3A_6 : i32
    %sign3A_8 = arith.extui %sign3A_7 : i1 to i32
    %sign3A_9 = arith.constant 0 : i32
    %sign3A_10 = arith.cmpi slt, %jit3A, %sign3A_9 : i32
    %sign3A_11 = arith.extui %sign3A_10 : i1 to i32
    %sign3A_12 = arith.subi %sign3A_8, %sign3A_11 : i32
    %ne3A = arith.cmpi ne, %sign3A_5, %sign3A_12 : i32
    %rem3A = arith.remsi %arg0, %jit3A : i32
    %ne3A_13 = arith.constant 0 : i32
    %ne3A_14 = arith.cmpi ne, %rem3A, %ne3A_13 : i32
    %and3A = arith.andi %ne3A, %ne3A_14 : i1
    %sub3A = arith.constant 1 : i32
    %sub3A_15 = arith.subi %div3A, %sub3A : i32
    %select_n3A = arith.select %and3A, %sub3A_15, %div3A : i32
    %mul3A = arith.constant 6 : i32
    %mul3A_16 = arith.muli %select_n3A, %mul3A : i32
    %jit3A_17 = arith.constant 2 : i32
    %eq3A = arith.constant 0 : i32
    %eq3A_18 = arith.cmpi eq, %jit3A_17, %eq3A : i32
    %jit3A_19 = arith.constant 1 : i32
    %select_n3A_20 = arith.select %eq3A_18, %jit3A_19, %jit3A_17 : i32
    %rem3A_21 = arith.remsi %arg0, %select_n3A_20 : i32
    %ne3A_22 = arith.constant 0 : i32
    %ne3A_23 = arith.cmpi ne, %rem3A_21, %ne3A_22 : i32
    %lt3A = arith.constant 0 : i32
    %lt3A_24 = arith.cmpi slt, %rem3A_21, %lt3A : i32
    %lt3A_25 = arith.constant 0 : i32
    %lt3A_26 = arith.cmpi slt, %select_n3A_20, %lt3A_25 : i32
    %ne3A_27 = arith.xori %lt3A_24, %lt3A_26 : i1
    %and3A_28 = arith.andi %ne3A_27, %ne3A_23 : i1
    %add3A = arith.addi %rem3A_21, %select_n3A_20 : i32
    %select_n3A_29 = arith.select %and3A_28, %add3A, %rem3A_21 : i32
    %add3A_30 = arith.addi %mul3A_16, %select_n3A_29 : i32
    %c0_i32 = arith.constant 0 : i32
    %c0_i32_31 = arith.constant 0 : i32
    return %c0_i32, %add3A_30 : i32, i32
  }
  func.func @transform_2(%arg0: i32) -> (i32, i32) {
    %jit3A = arith.constant 2 : i32
    %div3A = arith.divsi %arg0, %jit3A : i32
    %sign3A = arith.constant 0 : i32
    %sign3A_0 = arith.cmpi sgt, %arg0, %sign3A : i32
    %sign3A_1 = arith.extui %sign3A_0 : i1 to i32
    %sign3A_2 = arith.constant 0 : i32
    %sign3A_3 = arith.cmpi slt, %arg0, %sign3A_2 : i32
    %sign3A_4 = arith.extui %sign3A_3 : i1 to i32
    %sign3A_5 = arith.subi %sign3A_1, %sign3A_4 : i32
    %sign3A_6 = arith.constant 0 : i32
    %sign3A_7 = arith.cmpi sgt, %jit3A, %sign3A_6 : i32
    %sign3A_8 = arith.extui %sign3A_7 : i1 to i32
    %sign3A_9 = arith.constant 0 : i32
    %sign3A_10 = arith.cmpi slt, %jit3A, %sign3A_9 : i32
    %sign3A_11 = arith.extui %sign3A_10 : i1 to i32
    %sign3A_12 = arith.subi %sign3A_8, %sign3A_11 : i32
    %ne3A = arith.cmpi ne, %sign3A_5, %sign3A_12 : i32
    %rem3A = arith.remsi %arg0, %jit3A : i32
    %ne3A_13 = arith.constant 0 : i32
    %ne3A_14 = arith.cmpi ne, %rem3A, %ne3A_13 : i32
    %and3A = arith.andi %ne3A, %ne3A_14 : i1
    %sub3A = arith.constant 1 : i32
    %sub3A_15 = arith.subi %div3A, %sub3A : i32
    %select_n3A = arith.select %and3A, %sub3A_15, %div3A : i32
    %mul3A = arith.constant 6 : i32
    %mul3A_16 = arith.muli %select_n3A, %mul3A : i32
    %jit3A_17 = arith.constant 2 : i32
    %eq3A = arith.constant 0 : i32
    %eq3A_18 = arith.cmpi eq, %jit3A_17, %eq3A : i32
    %jit3A_19 = arith.constant 1 : i32
    %select_n3A_20 = arith.select %eq3A_18, %jit3A_19, %jit3A_17 : i32
    %rem3A_21 = arith.remsi %arg0, %select_n3A_20 : i32
    %ne3A_22 = arith.constant 0 : i32
    %ne3A_23 = arith.cmpi ne, %rem3A_21, %ne3A_22 : i32
    %lt3A = arith.constant 0 : i32
    %lt3A_24 = arith.cmpi slt, %rem3A_21, %lt3A : i32
    %lt3A_25 = arith.constant 0 : i32
    %lt3A_26 = arith.cmpi slt, %select_n3A_20, %lt3A_25 : i32
    %ne3A_27 = arith.xori %lt3A_24, %lt3A_26 : i1
    %and3A_28 = arith.andi %ne3A_27, %ne3A_23 : i1
    %add3A = arith.addi %rem3A_21, %select_n3A_20 : i32
    %select_n3A_29 = arith.select %and3A_28, %add3A, %rem3A_21 : i32
    %add3A_30 = arith.addi %mul3A_16, %select_n3A_29 : i32
    %add3A_31 = arith.constant 2 : i32
    %add3A_32 = arith.addi %add3A_30, %add3A_31 : i32
    %c0_i32 = arith.constant 0 : i32
    %c0_i32_33 = arith.constant 0 : i32
    return %c0_i32, %add3A_32 : i32, i32
  }
  func.func @transform_3(%arg0: i32) -> (i32, i32) {
    %jit3A = arith.constant 2 : i32
    %div3A = arith.divsi %arg0, %jit3A : i32
    %sign3A = arith.constant 0 : i32
    %sign3A_0 = arith.cmpi sgt, %arg0, %sign3A : i32
    %sign3A_1 = arith.extui %sign3A_0 : i1 to i32
    %sign3A_2 = arith.constant 0 : i32
    %sign3A_3 = arith.cmpi slt, %arg0, %sign3A_2 : i32
    %sign3A_4 = arith.extui %sign3A_3 : i1 to i32
    %sign3A_5 = arith.subi %sign3A_1, %sign3A_4 : i32
    %sign3A_6 = arith.constant 0 : i32
    %sign3A_7 = arith.cmpi sgt, %jit3A, %sign3A_6 : i32
    %sign3A_8 = arith.extui %sign3A_7 : i1 to i32
    %sign3A_9 = arith.constant 0 : i32
    %sign3A_10 = arith.cmpi slt, %jit3A, %sign3A_9 : i32
    %sign3A_11 = arith.extui %sign3A_10 : i1 to i32
    %sign3A_12 = arith.subi %sign3A_8, %sign3A_11 : i32
    %ne3A = arith.cmpi ne, %sign3A_5, %sign3A_12 : i32
    %rem3A = arith.remsi %arg0, %jit3A : i32
    %ne3A_13 = arith.constant 0 : i32
    %ne3A_14 = arith.cmpi ne, %rem3A, %ne3A_13 : i32
    %and3A = arith.andi %ne3A, %ne3A_14 : i1
    %sub3A = arith.constant 1 : i32
    %sub3A_15 = arith.subi %div3A, %sub3A : i32
    %select_n3A = arith.select %and3A, %sub3A_15, %div3A : i32
    %mul3A = arith.constant 6 : i32
    %mul3A_16 = arith.muli %select_n3A, %mul3A : i32
    %jit3A_17 = arith.constant 2 : i32
    %eq3A = arith.constant 0 : i32
    %eq3A_18 = arith.cmpi eq, %jit3A_17, %eq3A : i32
    %jit3A_19 = arith.constant 1 : i32
    %select_n3A_20 = arith.select %eq3A_18, %jit3A_19, %jit3A_17 : i32
    %rem3A_21 = arith.remsi %arg0, %select_n3A_20 : i32
    %ne3A_22 = arith.constant 0 : i32
    %ne3A_23 = arith.cmpi ne, %rem3A_21, %ne3A_22 : i32
    %lt3A = arith.constant 0 : i32
    %lt3A_24 = arith.cmpi slt, %rem3A_21, %lt3A : i32
    %lt3A_25 = arith.constant 0 : i32
    %lt3A_26 = arith.cmpi slt, %select_n3A_20, %lt3A_25 : i32
    %ne3A_27 = arith.xori %lt3A_24, %lt3A_26 : i1
    %and3A_28 = arith.andi %ne3A_27, %ne3A_23 : i1
    %add3A = arith.addi %rem3A_21, %select_n3A_20 : i32
    %select_n3A_29 = arith.select %and3A_28, %add3A, %rem3A_21 : i32
    %add3A_30 = arith.addi %mul3A_16, %select_n3A_29 : i32
    %add3A_31 = arith.constant 4 : i32
    %add3A_32 = arith.addi %add3A_30, %add3A_31 : i32
    %c0_i32 = arith.constant 0 : i32
    %c0_i32_33 = arith.constant 0 : i32
    return %c0_i32, %add3A_32 : i32, i32
  }
  func.func @transform_4(%arg0: i32) -> (i32, i32) {
    %c0_i32 = arith.constant 0 : i32
    %c0_i32_0 = arith.constant 0 : i32
    return %c0_i32, %arg0 : i32, i32
  }
}

module attributes {stable_mosaic.version = 14 : i64} {
  func.func @body(%arg0: i32, %arg1: memref<2048x512xf32, #tpu.memory_space<vmem>>, %arg2: memref<2048x1024xf32, #tpu.memory_space<vmem>>, %arg3: memref<512x1024xf32, #tpu.memory_space<vmem>>, %arg4: memref<2048x512xf32, #tpu.memory_space<vmem>>, %arg5: memref<2048x1024xbf16, #tpu.memory_space<vmem>>, %arg6: memref<2048x1024xbf16, #tpu.memory_space<vmem>>) attributes {dimension_semantics = [#tpu.dimension_semantics<arbitrary>], iteration_bounds = array<i64: 2>, scalar_prefetch = 0 : i64, scratch_operands = 2 : i64, tpu.core_type = #tpu.core_type<tc>, window_params = [{transform_indices = @transform_0, window_bounds = array<i64: 2048, 512>}, {pipeline_mode = #tpu.pipeline_mode<synchronous>, transform_indices = @transform_1, window_bounds = array<i64: 2048, 1024>}, {transform_indices = @transform_2, window_bounds = array<i64: 512, 1024>}, {transform_indices = @transform_3, window_bounds = array<i64: 2048, 512>}]} {
    %eq3A = arith.constant 0 : i32
    %eq3A_0 = arith.cmpi eq, %arg0, %eq3A : i32
    %convert_element_type3A = arith.extui %eq3A_0 : i1 to i32
    %cond3A = arith.constant 0 : i32
    %cond3A_1 = arith.cmpi ne, %convert_element_type3A, %cond3A : i32
    scf.if %cond3A_1 {
      %get3A_14 = arith.constant 0 : index
      %get3A_15 = arith.constant 0 : index
      %get3A_16 = vector.load %arg2[%get3A_14, %get3A_15] : memref<2048x1024xf32, #tpu.memory_space<vmem>>, vector<2048x1024xf32>
      %convert_element_type3A_17 = arith.truncf %get3A_16 : vector<2048x1024xf32> to vector<2048x1024xbf16>
      %convert_element_type3A_18 = arith.extf %convert_element_type3A_17 : vector<2048x1024xbf16> to vector<2048x1024xf32>
      %sub3A = arith.subf %get3A_16, %convert_element_type3A_18 : vector<2048x1024xf32>
      %convert_element_type3A_19 = arith.truncf %sub3A : vector<2048x1024xf32> to vector<2048x1024xbf16>
      %swap3A_20 = arith.constant 0 : index
      %swap3A_21 = arith.constant 0 : index
      %swap3A_22 = vector.load %arg5[%swap3A_20, %swap3A_21] : memref<2048x1024xbf16, #tpu.memory_space<vmem>>, vector<2048x1024xbf16>
      tpu.vector_store %arg5[%swap3A_20, %swap3A_21], %convert_element_type3A_17 {strides = array<i32>} : memref<2048x1024xbf16, #tpu.memory_space<vmem>>, vector<2048x1024xbf16>,
      %swap3A_23 = arith.constant 0 : index
      %swap3A_24 = arith.constant 0 : index
      %swap3A_25 = vector.load %arg6[%swap3A_23, %swap3A_24] : memref<2048x1024xbf16, #tpu.memory_space<vmem>>, vector<2048x1024xbf16>
      tpu.vector_store %arg6[%swap3A_23, %swap3A_24], %convert_element_type3A_19 {strides = array<i32>} : memref<2048x1024xbf16, #tpu.memory_space<vmem>>, vector<2048x1024xbf16>,
    } else {
    }
    %get3A = arith.constant 0 : index
    %get3A_2 = arith.constant 0 : index
    %get3A_3 = vector.load %arg1[%get3A, %get3A_2] : memref<2048x512xf32, #tpu.memory_space<vmem>>, vector<2048x512xf32>
    %get3A_4 = arith.constant 0 : index
    %get3A_5 = arith.constant 0 : index
    %get3A_6 = vector.load %arg5[%get3A_4, %get3A_5] : memref<2048x1024xbf16, #tpu.memory_space<vmem>>, vector<2048x1024xbf16>
    %get3A_7 = arith.constant 0 : index
    %get3A_8 = arith.constant 0 : index
    %get3A_9 = vector.load %arg3[%get3A_7, %get3A_8] : memref<512x1024xf32, #tpu.memory_space<vmem>>, vector<512x1024xf32>
    %convert_element_type3A_10 = arith.truncf %get3A_9 : vector<512x1024xf32> to vector<512x1024xbf16>
    %dot_general3A = arith.constant dense<0.000000e+00> : vector<2048x512xf32>
    %dot_general3A_11 = tpu.matmul %get3A_6, %convert_element_type3A_10, %dot_general3A {dimension_numbers = #tpu.dot_dimension_numbers<[1], [1], [0], [0], [0, 0, 1, 0], [], []>, transpose_lhs_hint = false} : vector<2048x1024xbf16>, vector<512x1024xbf16>, vector<2048x512xf32> -> vector<2048x512xf32>
    %add3A = arith.addf %get3A_3, %dot_general3A_11 : vector<2048x512xf32>
    %swap3A = arith.constant 0 : index
    %swap3A_12 = arith.constant 0 : index
    %swap3A_13 = vector.load %arg4[%swap3A, %swap3A_12] : memref<2048x512xf32, #tpu.memory_space<vmem>>, vector<2048x512xf32>
    tpu.vector_store %arg4[%swap3A, %swap3A_12], %add3A {strides = array<i32>} : memref<2048x512xf32, #tpu.memory_space<vmem>>, vector<2048x512xf32>,
    return
  }
  func.func @transform_0(%arg0: i32) -> (i32, i32) {
    %c0_i32 = arith.constant 0 : i32
    %c0_i32_0 = arith.constant 0 : i32
    return %c0_i32, %arg0 : i32, i32
  }
  func.func @transform_1(%arg0: i32) -> (i32, i32) {
    %c0_i32 = arith.constant 0 : i32
    %c0_i32_0 = arith.constant 0 : i32
    %c0_i32_1 = arith.constant 0 : i32
    return %c0_i32, %c0_i32_0 : i32, i32
  }
  func.func @transform_2(%arg0: i32) -> (i32, i32) {
    %c0_i32 = arith.constant 0 : i32
    %c0_i32_0 = arith.constant 0 : i32
    return %arg0, %c0_i32 : i32, i32
  }
  func.func @transform_3(%arg0: i32) -> (i32, i32) {
    %c0_i32 = arith.constant 0 : i32
    %c0_i32_0 = arith.constant 0 : i32
    return %c0_i32, %arg0 : i32, i32
  }
}

module attributes {stable_mosaic.version = 14 : i64} {
  func.func @body(%arg0: i32, %arg1: memref<2048x1024xf32, #tpu.memory_space<vmem>>, %arg2: memref<1x1024xf32, #tpu.memory_space<vmem>>, %arg3: memref<512x1024xf32, #tpu.memory_space<vmem>>, %arg4: memref<1x512xf32, #tpu.memory_space<vmem>>, %arg5: memref<1024x512xf32, #tpu.memory_space<vmem>>, %arg6: memref<1x1024xf32, #tpu.memory_space<vmem>>, %arg7: memref<2048x1024xf32, #tpu.memory_space<vmem>>, %arg8: memref<2048x1024xbf16, #tpu.memory_space<vmem>>, %arg9: memref<2048x1024xbf16, #tpu.memory_space<vmem>>) attributes {dimension_semantics = [#tpu.dimension_semantics<arbitrary>], iteration_bounds = array<i64: 8>, scalar_prefetch = 0 : i64, scratch_operands = 2 : i64, tpu.core_type = #tpu.core_type<tc>, window_params = [{pipeline_mode = #tpu.pipeline_mode<synchronous>, transform_indices = @transform_0, window_bounds = array<i64: 2048, 1024>}, {pipeline_mode = #tpu.pipeline_mode<synchronous>, transform_indices = @transform_1, window_bounds = array<i64: 1, 1024>}, {transform_indices = @transform_2, window_bounds = array<i64: 512, 1024>}, {transform_indices = @transform_3, window_bounds = array<i64: 1, 512>}, {transform_indices = @transform_4, window_bounds = array<i64: 1024, 512>}, {pipeline_mode = #tpu.pipeline_mode<synchronous>, transform_indices = @transform_5, window_bounds = array<i64: 1, 1024>}, {pipeline_mode = #tpu.pipeline_mode<synchronous>, transform_indices = @transform_6, window_bounds = array<i64: 2048, 1024>}]} {
    %eq3A = arith.constant 0 : i32
    %eq3A_0 = arith.cmpi eq, %arg0, %eq3A : i32
    %convert_element_type3A = arith.extui %eq3A_0 : i1 to i32
    %cond3A = arith.constant 0 : i32
    %cond3A_1 = arith.cmpi ne, %convert_element_type3A, %cond3A : i32
    scf.if %cond3A_1 {
      %get3A_36 = arith.constant 0 : index
      %get3A_37 = arith.constant 0 : index
      %get3A_38 = vector.load %arg1[%get3A_36, %get3A_37] : memref<2048x1024xf32, #tpu.memory_space<vmem>>, vector<2048x1024xf32>
      %get3A_39 = arith.constant 0 : index
      %get3A_40 = arith.constant 0 : index
      %get3A_41 = vector.load %arg2[%get3A_39, %get3A_40] : memref<1x1024xf32, #tpu.memory_space<vmem>>, vector<1x1024xf32>
      %mul3A_42 = arith.mulf %get3A_38, %get3A_38 : vector<2048x1024xf32>
      %reduce_sum3A = arith.constant dense<0.000000e+00> : vector<2048xf32>
      %reduce_sum3A_43 = vector.multi_reduction <add>, %mul3A_42, %reduce_sum3A [1] : vector<2048x1024xf32> to vector<2048xf32>
      %broadcast_in_dim3A = vector.shape_cast %reduce_sum3A_43 : vector<2048xf32> to vector<2048x1xf32>
      %div3A_44 = arith.constant 1.024000e+03 : f32
      %div3A_45 = vector.broadcast %div3A_44 : f32 to vector<2048x1xf32>
      %div3A_46 = arith.divf %broadcast_in_dim3A, %div3A_45 : vector<2048x1xf32>
      %add3A_47 = arith.constant 1.1920929E-7 : f32
      %add3A_48 = vector.broadcast %add3A_47 : f32 to vector<2048x1xf32>
      %add3A_49 = arith.addf %div3A_46, %add3A_48 : vector<2048x1xf32>
      %rsqrt3A = math.rsqrt %add3A_49 : vector<2048x1xf32>
      %mul3A_50 = vector.broadcast %rsqrt3A : vector<2048x1xf32> to vector<2048x1024xf32>
      %mul3A_51 = arith.mulf %get3A_38, %mul3A_50 : vector<2048x1024xf32>
      %mul3A_52 = vector.broadcast %get3A_41 : vector<1x1024xf32> to vector<2048x1024xf32>
      %mul3A_53 = arith.mulf %mul3A_51, %mul3A_52 : vector<2048x1024xf32>
      %convert_element_type3A_54 = arith.truncf %mul3A_53 : vector<2048x1024xf32> to vector<2048x1024xbf16>
      %convert_element_type3A_55 = arith.extf %convert_element_type3A_54 : vector<2048x1024xbf16> to vector<2048x1024xf32>
      %sub3A = arith.subf %mul3A_53, %convert_element_type3A_55 : vector<2048x1024xf32>
      %convert_element_type3A_56 = arith.truncf %sub3A : vector<2048x1024xf32> to vector<2048x1024xbf16>
      %swap3A = arith.constant 0 : index
      %swap3A_57 = arith.constant 0 : index
      %swap3A_58 = vector.load %arg8[%swap3A, %swap3A_57] : memref<2048x1024xbf16, #tpu.memory_space<vmem>>, vector<2048x1024xbf16>
      tpu.vector_store %arg8[%swap3A, %swap3A_57], %convert_element_type3A_54 {strides = array<i32>} : memref<2048x1024xbf16, #tpu.memory_space<vmem>>, vector<2048x1024xbf16>,
      %swap3A_59 = arith.constant 0 : index
      %swap3A_60 = arith.constant 0 : index
      %swap3A_61 = vector.load %arg9[%swap3A_59, %swap3A_60] : memref<2048x1024xbf16, #tpu.memory_space<vmem>>, vector<2048x1024xbf16>
      tpu.vector_store %arg9[%swap3A_59, %swap3A_60], %convert_element_type3A_56 {strides = array<i32>} : memref<2048x1024xbf16, #tpu.memory_space<vmem>>, vector<2048x1024xbf16>,
    } else {
    }
    %get3A = arith.constant 0 : index
    %get3A_2 = arith.constant 0 : index
    %get3A_3 = vector.load %arg8[%get3A, %get3A_2] : memref<2048x1024xbf16, #tpu.memory_space<vmem>>, vector<2048x1024xbf16>
    %get3A_4 = arith.constant 0 : index
    %get3A_5 = arith.constant 0 : index
    %get3A_6 = vector.load %arg3[%get3A_4, %get3A_5] : memref<512x1024xf32, #tpu.memory_space<vmem>>, vector<512x1024xf32>
    %convert_element_type3A_7 = arith.truncf %get3A_6 : vector<512x1024xf32> to vector<512x1024xbf16>
    %dot_general3A = arith.constant dense<0.000000e+00> : vector<2048x512xf32>
    %dot_general3A_8 = tpu.matmul %get3A_3, %convert_element_type3A_7, %dot_general3A {dimension_numbers = #tpu.dot_dimension_numbers<[1], [1], [0], [0], [0, 0, 1, 0], [], []>, transpose_lhs_hint = false} : vector<2048x1024xbf16>, vector<512x1024xbf16>, vector<2048x512xf32> -> vector<2048x512xf32>
    %get3A_9 = arith.constant 0 : index
    %get3A_10 = arith.constant 0 : index
    %get3A_11 = vector.load %arg4[%get3A_9, %get3A_10] : memref<1x512xf32, #tpu.memory_space<vmem>>, vector<1x512xf32>
    %add3A = vector.broadcast %get3A_11 : vector<1x512xf32> to vector<2048x512xf32>
    %add3A_12 = arith.addf %dot_general3A_8, %add3A : vector<2048x512xf32>
    %neg3A = arith.constant 0.000000e+00 : f32
    %neg3A_13 = vector.broadcast %neg3A : f32 to vector<2048x512xf32>
    %neg3A_14 = arith.subf %neg3A_13, %add3A_12 : vector<2048x512xf32>
    %exp3A = math.exp %neg3A_14 : vector<2048x512xf32>
    %add3A_15 = arith.constant 1.000000e+00 : f32
    %add3A_16 = vector.broadcast %add3A_15 : f32 to vector<2048x512xf32>
    %add3A_17 = arith.addf %add3A_16, %exp3A : vector<2048x512xf32>
    %div3A = arith.constant 1.000000e+00 : f32
    %div3A_18 = vector.broadcast %div3A : f32 to vector<2048x512xf32>
    %div3A_19 = arith.divf %div3A_18, %add3A_17 : vector<2048x512xf32>
    %mul3A = arith.mulf %add3A_12, %div3A_19 : vector<2048x512xf32>
    %convert_element_type3A_20 = arith.truncf %mul3A : vector<2048x512xf32> to vector<2048x512xbf16>
    %get3A_21 = arith.constant 0 : index
    %get3A_22 = arith.constant 0 : index
    %get3A_23 = vector.load %arg5[%get3A_21, %get3A_22] : memref<1024x512xf32, #tpu.memory_space<vmem>>, vector<1024x512xf32>
    %convert_element_type3A_24 = arith.truncf %get3A_23 : vector<1024x512xf32> to vector<1024x512xbf16>
    %dot_general3A_25 = arith.constant dense<0.000000e+00> : vector<2048x1024xf32>
    %dot_general3A_26 = tpu.matmul %convert_element_type3A_20, %convert_element_type3A_24, %dot_general3A_25 {dimension_numbers = #tpu.dot_dimension_numbers<[1], [1], [0], [0], [0, 0, 1, 0], [], []>, transpose_lhs_hint = false} : vector<2048x512xbf16>, vector<1024x512xbf16>, vector<2048x1024xf32> -> vector<2048x1024xf32>
    %eq3A_27 = arith.constant 0 : i32
    %eq3A_28 = arith.cmpi eq, %arg0, %eq3A_27 : i32
    %convert_element_type3A_29 = arith.extui %eq3A_28 : i1 to i32
    %cond3A_30 = arith.constant 0 : i32
    %cond3A_31 = arith.cmpi ne, %convert_element_type3A_29, %cond3A_30 : i32
    scf.if %cond3A_31 {
      %get3A_36 = arith.constant 0 : index
      %get3A_37 = arith.constant 0 : index
      %get3A_38 = vector.load %arg1[%get3A_36, %get3A_37] : memref<2048x1024xf32, #tpu.memory_space<vmem>>, vector<2048x1024xf32>
      %get3A_39 = arith.constant 0 : index
      %get3A_40 = arith.constant 0 : index
      %get3A_41 = vector.load %arg6[%get3A_39, %get3A_40] : memref<1x1024xf32, #tpu.memory_space<vmem>>, vector<1x1024xf32>
      %add3A_42 = vector.broadcast %get3A_41 : vector<1x1024xf32> to vector<2048x1024xf32>
      %add3A_43 = arith.addf %get3A_38, %add3A_42 : vector<2048x1024xf32>
      %add3A_44 = arith.addf %add3A_43, %dot_general3A_26 : vector<2048x1024xf32>
      %swap3A = arith.constant 0 : index
      %swap3A_45 = arith.constant 0 : index
      %swap3A_46 = vector.load %arg7[%swap3A, %swap3A_45] : memref<2048x1024xf32, #tpu.memory_space<vmem>>, vector<2048x1024xf32>
      tpu.vector_store %arg7[%swap3A, %swap3A_45], %add3A_44 {strides = array<i32>} : memref<2048x1024xf32, #tpu.memory_space<vmem>>, vector<2048x1024xf32>,
    } else {
    }
    %gt3A = arith.constant 0 : i32
    %gt3A_32 = arith.cmpi sgt, %arg0, %gt3A : i32
    %convert_element_type3A_33 = arith.extui %gt3A_32 : i1 to i32
    %cond3A_34 = arith.constant 0 : i32
    %cond3A_35 = arith.cmpi ne, %convert_element_type3A_33, %cond3A_34 : i32
    scf.if %cond3A_35 {
      %get3A_36 = arith.constant 0 : index
      %get3A_37 = arith.constant 0 : index
      %get3A_38 = vector.load %arg7[%get3A_36, %get3A_37] : memref<2048x1024xf32, #tpu.memory_space<vmem>>, vector<2048x1024xf32>
      %add3A_39 = arith.addf %get3A_38, %dot_general3A_26 : vector<2048x1024xf32>
      %swap3A = arith.constant 0 : index
      %swap3A_40 = arith.constant 0 : index
      %swap3A_41 = vector.load %arg7[%swap3A, %swap3A_40] : memref<2048x1024xf32, #tpu.memory_space<vmem>>, vector<2048x1024xf32>
      tpu.vector_store %arg7[%swap3A, %swap3A_40], %add3A_39 {strides = array<i32>} : memref<2048x1024xf32, #tpu.memory_space<vmem>>, vector<2048x1024xf32>,
    } else {
    }
    return
  }
  func.func @transform_0(%arg0: i32) -> (i32, i32) {
    %c0_i32 = arith.constant 0 : i32
    %c0_i32_0 = arith.constant 0 : i32
    %c0_i32_1 = arith.constant 0 : i32
    return %c0_i32, %c0_i32_0 : i32, i32
  }
  func.func @transform_1(%arg0: i32) -> (i32, i32) {
    %c0_i32 = arith.constant 0 : i32
    %c0_i32_0 = arith.constant 0 : i32
    %c0_i32_1 = arith.constant 0 : i32
    return %c0_i32, %c0_i32_0 : i32, i32
  }
  func.func @transform_2(%arg0: i32) -> (i32, i32) {
    %c0_i32 = arith.constant 0 : i32
    %c0_i32_0 = arith.constant 0 : i32
    return %arg0, %c0_i32 : i32, i32
  }
  func.func @transform_3(%arg0: i32) -> (i32, i32) {
    %c0_i32 = arith.constant 0 : i32
    %c0_i32_0 = arith.constant 0 : i32
    return %c0_i32, %arg0 : i32, i32
  }
  func.func @transform_4(%arg0: i32) -> (i32, i32) {
    %c0_i32 = arith.constant 0 : i32
    %c0_i32_0 = arith.constant 0 : i32
    return %c0_i32, %arg0 : i32, i32
  }
  func.func @transform_5(%arg0: i32) -> (i32, i32) {
    %c0_i32 = arith.constant 0 : i32
    %c0_i32_0 = arith.constant 0 : i32
    %c0_i32_1 = arith.constant 0 : i32
    return %c0_i32, %c0_i32_0 : i32, i32
  }
  func.func @transform_6(%arg0: i32) -> (i32, i32) {
    %c0_i32 = arith.constant 0 : i32
    %c0_i32_0 = arith.constant 0 : i32
    %c0_i32_1 = arith.constant 0 : i32
    return %c0_i32, %c0_i32_0 : i32, i32
  }
}

module attributes {stable_mosaic.version = 14 : i64} {
  func.func @body(%arg0: i32, %arg1: memref<2048x1024xf32, #tpu.memory_space<vmem>>, %arg2: memref<640x1024xf32, #tpu.memory_space<vmem>>, %arg3: memref<2048x640xf32, #tpu.memory_space<vmem>>, %arg4: memref<2048x1024xbf16, #tpu.memory_space<vmem>>) attributes {dimension_semantics = [#tpu.dimension_semantics<arbitrary>], iteration_bounds = array<i64: 50>, scalar_prefetch = 0 : i64, scratch_operands = 1 : i64, tpu.core_type = #tpu.core_type<tc>, window_params = [{pipeline_mode = #tpu.pipeline_mode<synchronous>, transform_indices = @transform_0, window_bounds = array<i64: 2048, 1024>}, {transform_indices = @transform_1, window_bounds = array<i64: 640, 1024>}, {transform_indices = @transform_2, window_bounds = array<i64: 2048, 640>}]} {
    %eq3A = arith.constant 0 : i32
    %eq3A_0 = arith.cmpi eq, %arg0, %eq3A : i32
    %convert_element_type3A = arith.extui %eq3A_0 : i1 to i32
    %cond3A = arith.constant 0 : i32
    %cond3A_1 = arith.cmpi ne, %convert_element_type3A, %cond3A : i32
    scf.if %cond3A_1 {
      %get3A_11 = arith.constant 0 : index
      %get3A_12 = arith.constant 0 : index
      %get3A_13 = vector.load %arg1[%get3A_11, %get3A_12] : memref<2048x1024xf32, #tpu.memory_space<vmem>>, vector<2048x1024xf32>
      %convert_element_type3A_14 = arith.truncf %get3A_13 : vector<2048x1024xf32> to vector<2048x1024xbf16>
      %swap3A_15 = arith.constant 0 : index
      %swap3A_16 = arith.constant 0 : index
      %swap3A_17 = vector.load %arg4[%swap3A_15, %swap3A_16] : memref<2048x1024xbf16, #tpu.memory_space<vmem>>, vector<2048x1024xbf16>
      tpu.vector_store %arg4[%swap3A_15, %swap3A_16], %convert_element_type3A_14 {strides = array<i32>} : memref<2048x1024xbf16, #tpu.memory_space<vmem>>, vector<2048x1024xbf16>,
    } else {
    }
    %get3A = arith.constant 0 : index
    %get3A_2 = arith.constant 0 : index
    %get3A_3 = vector.load %arg4[%get3A, %get3A_2] : memref<2048x1024xbf16, #tpu.memory_space<vmem>>, vector<2048x1024xbf16>
    %get3A_4 = arith.constant 0 : index
    %get3A_5 = arith.constant 0 : index
    %get3A_6 = vector.load %arg2[%get3A_4, %get3A_5] : memref<640x1024xf32, #tpu.memory_space<vmem>>, vector<640x1024xf32>
    %convert_element_type3A_7 = arith.truncf %get3A_6 : vector<640x1024xf32> to vector<640x1024xbf16>
    %dot_general3A = arith.constant dense<0.000000e+00> : vector<2048x640xf32>
    %dot_general3A_8 = tpu.matmul %get3A_3, %convert_element_type3A_7, %dot_general3A {dimension_numbers = #tpu.dot_dimension_numbers<[1], [1], [0], [0], [0, 0, 1, 0], [], []>, transpose_lhs_hint = false} : vector<2048x1024xbf16>, vector<640x1024xbf16>, vector<2048x640xf32> -> vector<2048x640xf32>
    %swap3A = arith.constant 0 : index
    %swap3A_9 = arith.constant 0 : index
    %swap3A_10 = vector.load %arg3[%swap3A, %swap3A_9] : memref<2048x640xf32, #tpu.memory_space<vmem>>, vector<2048x640xf32>
    tpu.vector_store %arg3[%swap3A, %swap3A_9], %dot_general3A_8 {strides = array<i32>} : memref<2048x640xf32, #tpu.memory_space<vmem>>, vector<2048x640xf32>,
    return
  }
  func.func @transform_0(%arg0: i32) -> (i32, i32) {
    %c0_i32 = arith.constant 0 : i32
    %c0_i32_0 = arith.constant 0 : i32
    %c0_i32_1 = arith.constant 0 : i32
    return %c0_i32, %c0_i32_0 : i32, i32
  }
  func.func @transform_1(%arg0: i32) -> (i32, i32) {
    %c0_i32 = arith.constant 0 : i32
    %c0_i32_0 = arith.constant 0 : i32
    return %arg0, %c0_i32 : i32, i32
  }
  func.func @transform_2(%arg0: i32) -> (i32, i32) {
    %c0_i32 = arith.constant 0 : i32
    %c0_i32_0 = arith.constant 0 : i32
    return %c0_i32, %arg0 : i32, i32
  }
}

</mosaic_0001>

<sc_bundles>
// kernel: kernel.21.cloned.1.call-start
scs
__scs_entry_jumppad:
0x0: {  	(pc) =	sbr.rel $0x88, $3  }
0x1: {  	(tag) =	ssettag $0x0;
	lr =	simm.s32 $0x1  }
0x2: {  	[smem:$0x3F93] =	sst lr;
	_ =	strace $0xD0000000  }
0x3: {  	_ = 	snop  }
0x4: {  	_ = 	snop  }
0x5: {  	_ = 	snop  }
0x6: {  	_ = 	snop  }
0x7: {  	_ = 	snop  }
__scs_overlays_trampoline_lowered:
0x8: {  	[smem:$0x3FA2] =	sst s0  }
0x9: {  	[smem:$0x3FA3] =	sst s1  }
0xa: {  	[smem:$0x3FA4] =	sst s2  }
0xb: {  	[smem:$0x3FA5] =	sst s3  }
0xc: {  	[smem:$0x3FA6] =	sst s4  }
0xd: {  	[smem:$0x3FA7] =	sst s5  }
0xe: {  	[smem:$0x3FA8] =	sst s6  }
0xf: {  	[smem:$0x3FA9] =	sst s7  }
0x10: {  	[smem:$0x3FAA] =	sst s8  }
0x11: {  	[smem:$0x3FAB] =	sst s9;
	s0 =	simm.s32 @!p0 $0x0  }
0x12: {  	s1 =	sld [smem:$0x3F91];
	s0 =	simm.s32 @p0 $0x1  }
0x13: {  	[smem:$0x3FAC] =	sst s0;
	s0 =	simm.s32 @!p1 $0x0  }
0x14: {  	s2 =	sld [smem:$0x3F90];
	s0 =	simm.s32 @p1 $0x1  }
0x15: {  	[smem:$0x3FAD] =	sst s0;
	s0 =	simm.s32 @!p2 $0x0  }
0x16: {  	s3 =	sld [smem:$0x3FDB];
	s0 =	simm.s32 @p2 $0x1  }
0x17: {  	s4 =	simm.s32 $0x1BF5;
	[smem:$0x3FAF] =	sst s0  }
0x18: {  	s0 =	sld [smem:$0x3F92];
	_ =	swait.ge [sflag:s4], $0x0  }
0x19: {  	s7 =	sld [smem:$0x3F93]  }
0x1a: {  	s8 =	sadd.s32 $0xFFFFE003, lr  }
0x1b: {  	s9 =	sadd.s32 $0xFFFFFEF7, lr;
	s5 =	simm.s32 $0xFFFFFFFF;
	p2 =	slt.u32 s8, $0xFFFFF086  }
0x1c: {  	p1 =	slt.u32 s9, $0xF7A;
	s5 =	simm.s32 @!p2 $0x0  }
0x1d: {  	s5 =	simm.s32 @p1 $0x1;
	p0 =	seq.s32 s7, s2  }
0x1e: {  	s7 =	smul.u32 @!p0 $0xF7A, s2;
	p2 =	seq.s32 @!p0 s5, $0x0  }
0x1f: {  	s9 =	smul.u32 $0xF7A, s1;
	s8 =	simm.s32 @!p0 $0x1BF5;
	p2 =	por !p2, p0  }
0x20: {  	[sflag:s8] =	ssyncset.s32 @!p0 $0xFFFFF086;
	s6 =	sadd.s32 @!p0 s3, s7;
	s7 =	simm.s32 @!p0 $0x108  }
0x21: {  	s3 =	sadd.s32 s3, s9;
	s6 =	sadd.s32 @!p0 $0x88, s6;
	s7 =	simm.s32 @p2 $0x1082  }
0x22: {  	[simem:s7], [sflag:s8] =	dma.local @!p0 [hbm:s6], $0xF7A  }
0x23: {  	s9 =	sor.u32 $0xD0000000, s2;
	s6 =	simm.s32 $0x108;
	_ =	swait.ge @!p0 [sflag:s8], $0x0  }
0x24: {  	s3 =	sadd.s32 $0x88, s3;
	s6 =	simm.s32 @!p1 $0x1082;
	[sflag:s4] =	ssyncset.s32 $0xFFFFF086  }
0x25: {  	[simem:s6], [sflag:s4] =	dma.local [hbm:s3], $0xF7A  }
0x26: {  	[smem:$0x3F93] =	sst s1;
	(tag) =	ssettag s2;
	_ =	strace s9  }
0x27: {  	s1 =	sld [smem:$0x3FA3]  }
0x28: {  	s2 =	sld [smem:$0x3FA4]  }
0x29: {  	s4 =	sld [smem:$0x3FA6]  }
0x2a: {  	p0 =	seq.s32 s5, $0x0;
	s5 =	sld [smem:$0x3FA7]  }
0x2b: {  	s6 =	sld [smem:$0x3FA8]  }
0x2c: {  	s7 =	sld [smem:$0x3FA9]  }
0x2d: {  	s3 =	simm.s32 $0x108;
	s8 =	sld [smem:$0x3FAA]  }
0x2e: {  	s3 =	simm.s32 @!p0 $0x1082;
	s9 =	sld [smem:$0x3FAB]  }
0x2f: {  	lr =	sadd.s32 s0, s3;
	s0 =	sld [smem:$0x3FA2]  }
0x30: {  	s3 =	sld [smem:$0x3FA5]  }
0x31: {  	[smem:$0x3FAE] =	sst s10  }
0x32: {  	s10 =	sld [smem:$0x3FAC];
	_ =	sdelay $0x3  }
0x33: {  	p0 =	seq.s32 s10, $0x1;
	s10 =	sld [smem:$0x3FAE];
	_ =	sdelay $0x3  }
0x34: {  	[smem:$0x3FAE] =	sst s10  }
0x35: {  	s10 =	sld [smem:$0x3FAD];
	_ =	sdelay $0x3  }
0x36: {  	p1 =	seq.s32 s10, $0x1;
	s10 =	sld [smem:$0x3FAE];
	_ =	sdelay $0x3  }
0x37: {  	[smem:$0x3FAE] =	sst s10  }
0x38: {  	s10 =	sld [smem:$0x3FAF]  }
0x39: {  	_ = 	snop;
	(pc) =	sbr.ind lr, $3  }
0x3a: {  	_ = 	snop  }
0x3b: {  	_ = 	snop  }
0x3c: {  	p2 =	seq.s32 s10, $0x1;
	s10 =	sld [smem:$0x3FAE]  }
0x3d: {  	_ =	shalt  }
0x3e: {  	_ =	shalt  }
0x3f: {  	_ =	shalt  }
0x40: {  	_ =	shalt  }
0x41: {  	_ =	shalt  }
0x42: {  	_ =	shalt  }
0x43: {  	_ =	shalt  }
0x44: {  	_ =	shalt  }
0x45: {  	_ =	shalt  }
0x46: {  	_ =	shalt  }
0x47: {  	_ =	shalt  }
0x48: {  	_ =	shalt  }
0x49: {  	_ =	shalt  }
0x4a: {  	_ =	shalt  }
0x4b: {  	_ =	shalt  }
0x4c: {  	_ =	shalt  }
0x4d: {  	_ =	shalt  }
0x4e: {  	_ =	shalt  }
0x4f: {  	_ =	shalt  }
0x50: {  	_ =	shalt  }
0x51: {  	_ =	shalt  }
0x52: {  	_ =	shalt  }
0x53: {  	_ =	shalt  }
0x54: {  	_ =	shalt  }
0x55: {  	_ =	shalt  }
0x56: {  	_ =	shalt  }
0x57: {  	_ =	shalt  }
0x58: {  	_ =	shalt  }
0x59: {  	_ =	shalt  }
0x5a: {  	_ =	shalt  }
0x5b: {  	_ =	shalt  }
0x5c: {  	_ =	shalt  }
0x5d: {  	_ =	shalt  }
0x5e: {  	_ =	shalt  }
0x5f: {  	_ =	shalt  }
0x60: {  	_ =	shalt  }
0x61: {  	_ =	shalt  }
0x62: {  	_ =	shalt  }
0x63: {  	_ =	shalt  }
0x64: {  	_ =	shalt  }
0x65: {  	_ =	shalt  }
0x66: {  	_ =	shalt  }
0x67: {  	_ =	shalt  }
0x68: {  	_ =	shalt  }
0x69: {  	_ =	shalt  }
0x6a: {  	_ =	shalt  }
0x6b: {  	_ =	shalt  }
0x6c: {  	_ =	shalt  }
0x6d: {  	_ =	shalt  }
0x6e: {  	_ =	shalt  }
0x6f: {  	_ =	shalt  }
0x70: {  	_ =	shalt  }
0x71: {  	_ =	shalt  }
0x72: {  	_ =	shalt  }
0x73: {  	_ =	shalt  }
0x74: {  	_ =	shalt  }
0x75: {  	_ =	shalt  }
0x76: {  	_ =	shalt  }
0x77: {  	_ =	shalt  }
0x78: {  	_ =	shalt  }
0x79: {  	_ =	shalt  }
0x7a: {  	_ =	shalt  }
0x7b: {  	_ =	shalt  }
0x7c: {  	_ =	shalt  }
0x7d: {  	_ =	shalt  }
0x7e: {  	_ =	shalt  }
0x7f: {  	_ =	shalt  }
0x80: {  	_ =	shalt  }
0x81: {  	_ =	shalt  }
0x82: {  	_ =	shalt  }
0x83: {  	_ =	shalt  }
0x84: {  	_ =	shalt  }
0x85: {  	_ =	shalt  }
0x86: {  	_ =	shalt  }
0x87: {  	_ =	shalt  }
.Lfunc_end0:
.L_simem_size_0:
called_computation_lowered:
.L_overlay_start_0:
0x88: {  	s2 =	sld [smem:$0x3FD9]  }
0x89: {  	s3 =	sld [smem:$0x3FFE];
	_ =	sdelay $0x1  }
0x8a: {  	s1 =	srdreg.scid  }
0x8b: {  	s0 =	sand.u32 $0x1, s1  }
0x8c: {  	s18 =	sshll.u32 s0, $0xA;
	s2 =	sadd.s32 s3, s2  }
0x8d: {  	s2 =	sadd.s32 s2, s18  }
0x8e: {  	[smem:$0x3FBA] =	sst s2  }
0x8f: {  	_ = 	snop  }
0x90: {  	s2 =	sld [smem:$0x3FC9]  }
0x91: {  	s19 =	sld [smem:$0x3FC8]  }
0x92: {  	s4 =	sld [smem:$0x3FD0];
	(tm) =	ssettm $0x1  }
0x93: {  	s5 =	sld [smem:$0x3FFB];
	_ =	sdelay $0x3  }
0x94: {  	_ =	strace s5  }
0x95: {  	s5 =	sld [smem:$0x3FFC];
	_ =	sdelay $0x3  }
0x96: {  	_ =	strace s5  }
0x97: {  	s5 =	sld [smem:$0x3FFD];
	_ =	sdelay $0x3  }
0x98: {  	_ =	strace s5  }
0x99: {  	_ =	strace $0x8FFFFFFF  }
0x9a: {  	s20 =	sld [smem:$0x3FDB];
	_ =	sdelay $0x1  }
0x9b: {  	s6 =	simm.s32 $_scs_section_size  }
0x9c: {  	s7 =	simm.s32 $_size__tile_overlayer_lowered;
	s8 =	simm.s32 $_tile_overlayer_lowered  }
0x9d: {  	s23 =	simm.s32 $0x1BFF;
	s22 =	sshll.u32 s8, $0x1;
	s5 =	sadd.s32 s6, s20  }
0x9e: {  	s9 =	simm.s32 $0x0;
	s21 =	sshll.u32 s7, $0x1;
	s7 =	sadd.s32 s22, s5  }
0x9f: {  	[timem:s9], [sflag:s23] =	dma.local [hbm:s7], s21  }
0xa0: {  	_ =	swait.ge [sflag:s23], s21  }
0xa1: {  	s6 =	ssub.s32 $0x0, s21;
	[sflag:s23] =	ssyncset.done $0x0  }
0xa2: {  	[sflag:s23] =	ssyncadd.s32 s6;
	_ =	sdelay $0x1  }
0xa3: {  	s24 =	simm.s32 $0x1B8B  }
0xa4: {  	_ =	swait.ge [sflag:s24], $0x1  }
0xa5: {  	[sflag:s24] =	ssyncset.done $0x0  }
0xa6: {  	s25 =	simm.s32 $0x1B8E;
	[sflag:s24] =	ssyncadd.s32 $0xFFFFFFFF  }
0xa7: {  	s26 =	simm.s32 $execute0_lowered;
	[smem:$0x3FD2] =	sst s25  }
0xa8: {  	s6 =	sshll.u32 s26, $0x1;
	_ =	strace $0x80000046;
	[dreg:$0x1] =	wrdreg $0xFFFFFFFF  }
0xa9: {  	s28 =	simm.s32 $_size_execute0_lowered;
	s5 =	sadd.s32 s5, s6;
	[dreg:$0x0] =	wrdreg $0x0  }
0xaa: {  	s6 =	sshll.u32 s28, $0x1;
	[dreg:$0x2] =	wrdreg s5  }
0xab: {  	[dreg:$0x3] =	wrdreg s6  }
0xac: {  	[dreg:$0x4] =	wrdreg $0xC0  }
0xad: {  	_ =	task [dreg:s9], $0x5FFFF  }
0xae: {  	[dreg:$0x1] =	wrdreg $0xFFFFFFFF  }
0xaf: {  	[dreg:$0x0] =	wrdreg $0x60  }
0xb0: {  	[dreg:$0x2] =	wrdreg s19  }
0xb1: {  	[dreg:$0x3] =	wrdreg s2  }
0xb2: {  	[dreg:$0x4] =	wrdreg s4  }
0xb3: {  	[dreg:$0x5] =	wrdreg $0x9  }
0xb4: {  	_ =	task.clear_ibuf [dreg:s9], $0x6FFFF;
	_ =	strace $0x90000046  }
0xb5: {  	s29 =	simm.s32 $0x9;
	_ =	strace $0x80000048  }
0xb6: {  	_ =	swait.ge [sflag:s29], $0x1  }
0xb7: {  	[sflag:s29] =	ssyncadd.s32 $0xFFFFFFFF  }
0xb8: {  	_ =	strace $0x90000048  }
0xb9: {  	_ =	sfence  }
0xba: {  	s30 =	sld [smem:$0x0];
	_ =	sdelay $0x2  }
0xbb: {  	s31 =	sshll.u32 s1, $0xD;
	s1 =	sshrl.u32 s1, $0x2  }
0xbc: {  	s3 =	sand.u32 $0x4000, s31;
	s1 =	sadd.s32 s1, s30  }
0xbd: {  	s0 =	sor.u32 s3, s0;
	s1 =	sshll.u32 s1, $0x11  }
0xbe: {  	s0 =	sor.u32 s1, s0  }
0xbf: {  	s0 =	sadd.s32 $0x8F2B, s0  }
0xc0: {  	[sflag:s0] =	ssyncadd.remote.s32 $0x1  }
0xc1: {  	_ =	sfence.sel $0xFFFF  }
0xc2: {  	[dreg:$0x0] =	wrdreg $0xFFFFFFFF;
	(pc) =	sbr.abs _section_cstart, $3  }
0xc3: {  	[dreg:$0x1] =	wrdreg $0xFFFFFFFF  }
0xc4: {  	_ =	task.clear_ibuf [dreg:s9], $0x2FFFF;
	_ =	strace $0x9FFFFFFF  }
0xc5: {  	(tm) =	ssettm $0x7FFFFFFF  }
tec
execute0_lowered:
.L_overlay_start_1:
0x0: {  	(tag) =	ssettag $0x1  }
0x1: {  	s1 =	rddreg [dreg:$0x0]  }
0x2: {  	s2 =	srdreg.scid;
	s4 =	rddreg [dreg:$0x1]  }
0x3: {  	s0 =	stileid.u32;
	s5 =	rddreg [dreg:$0x2]  }
0x4: {  	s3 =	simm.s32 $0x0;
	s17 =	simm.s32 $0x880;
	s18 =	simm.s32 $0x1080  }
0x5: {  	s19 =	simm.s32 $0x1880;
	s21 =	simm.s32 $0x2080;
	s22 =	simm.s32 $0x2880  }
0x6: {  	s23 =	simm.s32 $0x3080;
	s24 =	simm.s32 $0x3880;
	[smem:$0x7FF] =	sst s3  }
0x7: {  	s8 =	simm.s32 $0x4080;
	_ =	strace $0x80000047;
	[dreg:$0x6] =	wrdreg s17  }
0x8: {  	s25 =	simm.s32 $0x4880;
	s26 =	simm.s32 $0x5080;
	[dreg:$0x7] =	wrdreg s18  }
0x9: {  	s9 =	simm.s32 $0x80;
	s11 =	simm.s32 $0x6080;
	[dreg:$0x8] =	wrdreg s19  }
0xa: {  	s12 =	simm.s32 $0x6880;
	s13 =	simm.s32 $0x7080;
	[dreg:$0x9] =	wrdreg s21  }
0xb: {  	s14 =	simm.s32 $0x7880;
	s15 =	simm.s32 $0x8080;
	[dreg:$0xa] =	wrdreg s22  }
0xc: {  	s28 =	simm.s32 $0xE080;
	s29 =	simm.s32 $0xE880;
	[dreg:$0xb] =	wrdreg s23  }
0xd: {  	s30 =	simm.s32 $0xF080;
	s31 =	simm.s32 $0xF880;
	[dreg:$0xc] =	wrdreg s24  }
0xe: {  	s2 =	sand.u32 $0x1, s2;
	s6 =	sshll.u32 s0, $0x7;
	[dreg:$0xd] =	wrdreg s8  }
0xf: {  	s7 =	sshll.u32 s2, $0x6;
	s2 =	ssub.s32 $0x2, s2;
	[dreg:$0xe] =	wrdreg s25  }
0x10: {  	s8 =	simm.s32 $0x2;
	[dreg:$0xf] =	wrdreg s26;
	s17 =	simm.s32 $0x9080  }
0x11: {  	s18 =	simm.s32 $0x9880;
	s19 =	simm.s32 $0xA080;
	s21 =	simm.s32 $0xB080  }
0x12: {  	s22 =	simm.s32 $0xB880;
	s23 =	simm.s32 $0xC080;
	s24 =	simm.s32 $0xC880  }
0x13: {  	s25 =	simm.s32 $0xD080;
	s26 =	simm.s32 $0xD880;
	s6 =	sor.u32 s7, s6  }
0x14: {  	s20 =	sshrl.u32 s2, $0x1;
	s7 =	sshrl.u32 s6, $0x3;
	s6 =	sshll.u32 s6, $0x7  }
0x15: {  	s2 =	ssub.s32 s2, s20;
	s20 =	simm.s32 $0xA880;
	s4 =	sadd.s32 s4, s7  }
0x16: {  	v2 =	vlaneseq.u32;
	s16 =	sadd.s32 s5, s6;
	s5 =	sadd.s32 $0x200, s1;
	s6 =	sadd.s32 $0x300, s1  }
0x17: {  	vm0 =	vmmov $0xffff;
	v1 =	vshrl.u32 v2, $0x3;
	s7 =	smax.u32 s2, $0x1;
	s2 =	simm.s32 $0x1;
	[dreg:$0x4] =	wrdreg s4  }
0x18: {  	v0 =	vand.u32 $0x7, v2;
	v2 =	vor.u32 $0x8, v2;
	v1 =	vmul.u32 $0x8, v1;
	[dreg:$0x5] =	wrdreg s16;
	s4 =	sadd.s32 $0x100, s1;
	s16 =	simm.s32 $0x8880  }
.LBB2_1:
0x19: {  	s0 =	rddreg [dreg:$0x4]  }
0x1a: {  	[tilespmem:s3], [sflag:$0x2] =	stream.linear.gather [hbm4b:s0+s3], $0x40, $0x38;
	[tilespmem:$0x10080] =	vst v63  }
0x1b: {  	_ =	swait.ge [sflag:s8], $0x40  }
0x1c: {  	[sflag:s8] =	ssyncset.done $0x0  }
0x1d: {  	[sflag:s8] =	ssyncadd.s32 $0xFFFFFFC0  }
0x1e: {  	v3 =	vld [tilespmem:$0x0];
	_ =	sdelay $0x4  }
0x1f: {  	v4 =	vshll.u32 v3, $0x3  }
0x20: {  	v3 =	vand.u32 $0x7, v3;
	v4 =	vand.u32 $0xFFFFFFC0, v4  }
0x21: {  	v3 =	vor.u32 v3, v4  }
0x22: {  	v4 =	vperm.xlane v3, v0;
	_ =	sdelay $0x1  }
0x23: {  	v4 =	vadd.s32 v1, v4;
	_ =	sdelay $0x4  }
0x24: {  	[tilespmem:s9], [sflag:$0x1] =	stream.indirect_vreg.gather [hbm4b:s1+s3], $0x80, v4, vm0, $0xb8;
	[tilespmem:$0x10080] =	vst v63  }
0x25: {  	s0 =	rddreg [dreg:$0x6];
	v3 =	vperm.xlane v3, v2  }
0x26: {  	[tilespmem:s0], [sflag:$0x1] =	stream.indirect_vreg.gather [hbm4b:s4+s3], $0x80, v4, vm0, $0xb8;
	[tilespmem:$0x10080] =	vst v63  }
0x27: {  	s10 =	rddreg [dreg:$0x7];
	v3 =	vadd.s32 v1, v3  }
0x28: {  	[tilespmem:s10], [sflag:$0x1] =	stream.indirect_vreg.gather [hbm4b:s5+s3], $0x80, v4, vm0, $0xb8;
	[tilespmem:$0x10080] =	vst v63  }
0x29: {  	s0 =	rddreg [dreg:$0x8]  }
0x2a: {  	[tilespmem:s0], [sflag:$0x1] =	stream.indirect_vreg.gather [hbm4b:s6+s3], $0x80, v4, vm0, $0xb8;
	[tilespmem:$0x10080] =	vst v63  }
0x2b: {  	s10 =	rddreg [dreg:$0x9]  }
0x2c: {  	[tilespmem:s10], [sflag:$0x1] =	stream.indirect_vreg.gather [hbm4b:s1+s3], $0x80, v3, vm0, $0xb8;
	[tilespmem:$0x10080] =	vst v63  }
0x2d: {  	s0 =	rddreg [dreg:$0xa]  }
0x2e: {  	[tilespmem:s0], [sflag:$0x1] =	stream.indirect_vreg.gather [hbm4b:s4+s3], $0x80, v3, vm0, $0xb8;
	[tilespmem:$0x10080] =	vst v63  }
0x2f: {  	s10 =	rddreg [dreg:$0xb]  }
0x30: {  	[tilespmem:s10], [sflag:$0x1] =	stream.indirect_vreg.gather [hbm4b:s5+s3], $0x80, v3, vm0, $0xb8;
	[tilespmem:$0x10080] =	vst v63  }
0x31: {  	s0 =	rddreg [dreg:$0xc]  }
0x32: {  	[tilespmem:s0], [sflag:$0x1] =	stream.indirect_vreg.gather [hbm4b:s6+s3], $0x80, v3, vm0, $0xb8;
	[tilespmem:$0x10080] =	vst v63  }
0x33: {  	v3 =	vld [tilespmem:$0x10];
	_ =	sdelay $0x4  }
0x34: {  	v61 =	vshll.u32 v3, $0x3  }
0x35: {  	v3 =	vand.u32 $0x7, v3;
	v4 =	vand.u32 $0xFFFFFFC0, v61  }
0x36: {  	v3 =	vor.u32 v3, v4  }
0x37: {  	v4 =	vperm.xlane v3, v0;
	_ =	sdelay $0x1  }
0x38: {  	v4 =	vadd.s32 v1, v4;
	_ =	sdelay $0x3  }
0x39: {  	s0 =	rddreg [dreg:$0xd]  }
0x3a: {  	[tilespmem:s0], [sflag:$0x1] =	stream.indirect_vreg.gather [hbm4b:s1+s3], $0x80, v4, vm0, $0xb8;
	[tilespmem:$0x10080] =	vst v63  }
0x3b: {  	s10 =	rddreg [dreg:$0xe];
	v3 =	vperm.xlane v3, v2  }
0x3c: {  	[tilespmem:s10], [sflag:$0x1] =	stream.indirect_vreg.gather [hbm4b:s4+s3], $0x80, v4, vm0, $0xb8;
	[tilespmem:$0x10080] =	vst v63  }
0x3d: {  	v3 =	vadd.s32 v1, v3;
	s0 =	rddreg [dreg:$0xf]  }
0x3e: {  	[tilespmem:s0], [sflag:$0x1] =	stream.indirect_vreg.gather [hbm4b:s5+s3], $0x80, v4, vm0, $0xb8;
	[tilespmem:$0x10080] =	vst v63  }
0x3f: {  	s10 =	simm.s32 $0x5880  }
0x40: {  	[tilespmem:s10], [sflag:$0x1] =	stream.indirect_vreg.gather [hbm4b:s6+s3], $0x80, v4, vm0, $0xb8;
	[tilespmem:$0x10080] =	vst v63  }
0x41: {  	_ = 	snop  }
0x42: {  	[tilespmem:s11], [sflag:$0x1] =	stream.indirect_vreg.gather [hbm4b:s1+s3], $0x80, v3, vm0, $0xb8;
	[tilespmem:$0x10080] =	vst v63  }
0x43: {  	_ = 	snop  }
0x44: {  	[tilespmem:s12], [sflag:$0x1] =	stream.indirect_vreg.gather [hbm4b:s4+s3], $0x80, v3, vm0, $0xb8;
	[tilespmem:$0x10080] =	vst v63  }
0x45: {  	_ = 	snop  }
0x46: {  	[tilespmem:s13], [sflag:$0x1] =	stream.indirect_vreg.gather [hbm4b:s5+s3], $0x80, v3, vm0, $0xb8;
	[tilespmem:$0x10080] =	vst v63  }
0x47: {  	_ = 	snop  }
0x48: {  	[tilespmem:s14], [sflag:$0x1] =	stream.indirect_vreg.gather [hbm4b:s6+s3], $0x80, v3, vm0, $0xb8;
	[tilespmem:$0x10080] =	vst v63  }
0x49: {  	v3 =	vld [tilespmem:$0x20];
	_ =	sdelay $0x4  }
0x4a: {  	v62 =	vshll.u32 v3, $0x3  }
0x4b: {  	v3 =	vand.u32 $0x7, v3;
	v4 =	vand.u32 $0xFFFFFFC0, v62  }
0x4c: {  	v3 =	vor.u32 v3, v4  }
0x4d: {  	v4 =	vperm.xlane v3, v0;
	_ =	sdelay $0x1  }
0x4e: {  	v4 =	vadd.s32 v1, v4;
	_ =	sdelay $0x4  }
0x4f: {  	[tilespmem:s15], [sflag:$0x1] =	stream.indirect_vreg.gather [hbm4b:s1+s3], $0x80, v4, vm0, $0xb8;
	[tilespmem:$0x10080] =	vst v63  }
0x50: {  	v3 =	vperm.xlane v3, v2  }
0x51: {  	[tilespmem:s16], [sflag:$0x1] =	stream.indirect_vreg.gather [hbm4b:s4+s3], $0x80, v4, vm0, $0xb8;
	[tilespmem:$0x10080] =	vst v63  }
0x52: {  	v3 =	vadd.s32 v1, v3  }
0x53: {  	[tilespmem:s17], [sflag:$0x1] =	stream.indirect_vreg.gather [hbm4b:s5+s3], $0x80, v4, vm0, $0xb8;
	[tilespmem:$0x10080] =	vst v63  }
0x54: {  	_ = 	snop  }
0x55: {  	[tilespmem:s18], [sflag:$0x1] =	stream.indirect_vreg.gather [hbm4b:s6+s3], $0x80, v4, vm0, $0xb8;
	[tilespmem:$0x10080] =	vst v63  }
0x56: {  	_ = 	snop  }
0x57: {  	[tilespmem:s19], [sflag:$0x1] =	stream.indirect_vreg.gather [hbm4b:s1+s3], $0x80, v3, vm0, $0xb8;
	[tilespmem:$0x10080] =	vst v63  }
0x58: {  	_ = 	snop  }
0x59: {  	[tilespmem:s20], [sflag:$0x1] =	stream.indirect_vreg.gather [hbm4b:s4+s3], $0x80, v3, vm0, $0xb8;
	[tilespmem:$0x10080] =	vst v63  }
0x5a: {  	_ = 	snop  }
0x5b: {  	[tilespmem:s21], [sflag:$0x1] =	stream.indirect_vreg.gather [hbm4b:s5+s3], $0x80, v3, vm0, $0xb8;
	[tilespmem:$0x10080] =	vst v63  }
0x5c: {  	_ = 	snop  }
0x5d: {  	[tilespmem:s22], [sflag:$0x1] =	stream.indirect_vreg.gather [hbm4b:s6+s3], $0x80, v3, vm0, $0xb8;
	[tilespmem:$0x10080] =	vst v63  }
0x5e: {  	v3 =	vld [tilespmem:$0x30];
	_ =	sdelay $0x4  }
0x5f: {  	v63 =	vshll.u32 v3, $0x3  }
0x60: {  	v3 =	vand.u32 $0x7, v3;
	v4 =	vand.u32 $0xFFFFFFC0, v63  }
0x61: {  	v3 =	vor.u32 v3, v4  }
0x62: {  	v4 =	vperm.xlane v3, v0;
	_ =	sdelay $0x1  }
0x63: {  	v4 =	vadd.s32 v1, v4;
	_ =	sdelay $0x4  }
0x64: {  	[tilespmem:s23], [sflag:$0x1] =	stream.indirect_vreg.gather [hbm4b:s1+s3], $0x80, v4, vm0, $0xb8;
	[tilespmem:$0x10080] =	vst v63  }
0x65: {  	v3 =	vperm.xlane v3, v2  }
0x66: {  	[tilespmem:s24], [sflag:$0x1] =	stream.indirect_vreg.gather [hbm4b:s4+s3], $0x80, v4, vm0, $0xb8;
	[tilespmem:$0x10080] =	vst v63  }
0x67: {  	v3 =	vadd.s32 v1, v3  }
0x68: {  	[tilespmem:s25], [sflag:$0x1] =	stream.indirect_vreg.gather [hbm4b:s5+s3], $0x80, v4, vm0, $0xb8;
	[tilespmem:$0x10080] =	vst v63  }
0x69: {  	_ = 	snop  }
0x6a: {  	[tilespmem:s26], [sflag:$0x1] =	stream.indirect_vreg.gather [hbm4b:s6+s3], $0x80, v4, vm0, $0xb8;
	[tilespmem:$0x10080] =	vst v63  }
0x6b: {  	_ = 	snop  }
0x6c: {  	[tilespmem:s28], [sflag:$0x1] =	stream.indirect_vreg.gather [hbm4b:s1+s3], $0x80, v3, vm0, $0xb8;
	[tilespmem:$0x10080] =	vst v63  }
0x6d: {  	_ = 	snop  }
0x6e: {  	[tilespmem:s29], [sflag:$0x1] =	stream.indirect_vreg.gather [hbm4b:s4+s3], $0x80, v3, vm0, $0xb8;
	[tilespmem:$0x10080] =	vst v63  }
0x6f: {  	_ = 	snop  }
0x70: {  	[tilespmem:s30], [sflag:$0x1] =	stream.indirect_vreg.gather [hbm4b:s5+s3], $0x80, v3, vm0, $0xb8;
	[tilespmem:$0x10080] =	vst v63  }
0x71: {  	_ = 	snop  }
0x72: {  	[tilespmem:s31], [sflag:$0x1] =	stream.indirect_vreg.gather [hbm4b:s6+s3], $0x80, v3, vm0, $0xb8;
	[tilespmem:$0x10080] =	vst v63  }
0x73: {  	_ =	swait.ge [sflag:s2], $0x10000  }
0x74: {  	p0 =	sne.s32 s7, $0x1;
	[sflag:s2] =	ssyncset.done $0x0  }
.Ltmp0:
0x75: {  	s10 =	rddreg [dreg:$0x5];
	[sflag:s2] =	ssyncadd.s32 $0xFFFF0000;
	(pc) =	sbr.rel @p0 .LBB2_1-.Ltmp0, $4  }
0x76: {  	[hbm4b:s10+s3] =	stream.linear.scatter [tilespmem:s9], [sflag:$0x2], $0x10000, $0x38;
	[tilespmem:$0x10080] =	vst v63  }
0x77: {  	_ =	swait.ge [sflag:s8], $0x10000  }
0x78: {  	[sflag:s8] =	ssyncset.done $0x0  }
0x79: {  	s7 =	sadd.s32 $0xFFFFFFFF, s7;
	[sflag:s8] =	ssyncadd.s32 $0xFFFF0000  }
0x7a: {  	_ =	sfence.sel $0x180000  }
0x7b: {  	[bflag:$0x0] =	sbarrier.arrive $0xFFFF  }
0x7c: {  	_ =	strace $0x90000047  }
0x7d: {  	s0 =	stileid.u32;
	[bflag:$0x2] =	sbarrier.arrive $0xFFFF  }
0x7e: {  	p0 =	sne.s32 s0, $0x0;
	s0 =	rddreg [dreg:$0x3]  }
0x7f: {  	s0 =	sadd.s32 @!p0 $0x100000, s0  }
0x80: {  	[sflag:s0] =	ssyncadd.tile.s32 @!p0 $0x1;
	_ =	shalt  }
.Lfunc_end2:
_tile_overlayer_lowered:
.L_overlay_start_2:
0x81: {  	(tag) =	ssettag $0x2  }
0x82: {  	s0 =	rddreg [dreg:$0x0];
	s2 =	stileid.u32  }
0x83: {  	s1 =	rddreg [dreg:$0x1];
	p0 =	sne.s32 s2, $0x0  }
0x84: {  	s3 =	rddreg [dreg:$0x2];
	[bflag:$0x3] =	sbarrier.arrive $0xFFFF;
	s2 =	simm.s32 @!p0 $0x1C02  }
0x85: {  	[timem:s3], [sflag:s2] =	dma.local @!p0 [hbm:s0], s1  }
0x86: {  	s0 =	simm.s32 @!p0 $0x2  }
0x87: {  	_ =	swait.ge @!p0 [sflag:s0], s1  }
0x88: {  	s1 =	ssub.s32 @!p0 $0x0, s1;
	[sflag:s0] =	ssyncset.done @!p0 $0x0  }
0x89: {  	[sflag:s0] =	ssyncadd.s32 @!p0 s1  }
0x8a: {  	[bflag:$0x3] =	sbarrier.arrive $0xFFFF  }
0x8b: {  	_ =	shalt  }

</sc_bundles>
